<compile_context>
chip_gen: v7x
topology: tpu7x:2x2x1
jax: 0.10.2.dev20260603
libtpu: 0.0.44.dev20260713+nightly
codegen_flags: <defaults>
</compile_context>

<pallas_src>
import functools

import jax
import jax.numpy as jnp
from jax import lax
from jax.experimental import pallas as pl
from jax.experimental.pallas import tpu as pltpu
from jax.experimental.pallas import tpu_sc as plsc

_V = 462
_E = 462
_D = 256
_L = 16
_EPW = 16
_NC = 2
_NS = 16
_W = 36

_mesh = plsc.VectorSubcoreMesh(core_axis_name="c", subcore_axis_name="s")


@functools.partial(
    pl.kernel,
    mesh=_mesh,
    out_type=jax.ShapeDtypeStruct((2 * _V, _D), jnp.float32),
    scratch_types=[
        pltpu.VMEM((_W,), jnp.int32),
        pltpu.VMEM((_EPW,), jnp.int32),
        pltpu.VMEM((_EPW,), jnp.int32),
        pltpu.VMEM((_EPW, _D), jnp.float32),
        pltpu.VMEM((_EPW, _D), jnp.float32),
        pltpu.VMEM((_EPW, _D), jnp.float32),
        pltpu.VMEM((_EPW, _D), jnp.float32),
        pltpu.SemaphoreType.DMA,
        pltpu.SemaphoreType.DMA,
        pltpu.SemaphoreType.DMA,
    ],
)
def _gunpool_sc(x_hbm, pidx_hbm, out_hbm, win_v, idxa_v, idxb_v, rowsa_v,
                rowsb_v, mid_v, copy_v, sem0, sem1, sem2):
    w = lax.axis_index("s") * _NC + lax.axis_index("c")
    base = jnp.minimum(w * _EPW, _E - _EPW)
    lane = lax.broadcasted_iota(jnp.int32, (_L,), 0)
    crow = base + lane

    start = jnp.minimum(w * (2 * _EPW), 2 * _E - _W)
    off = 2 * base - start
    wf = pltpu.async_copy(pidx_hbm.at[pl.ds(start, _W)], win_v, sem1)

    cp_in = pltpu.async_copy(x_hbm.at[crow], copy_v, sem2)

    wf.wait()
    idxa_v[...] = win_v[pl.ds(off, _L)]
    idxb_v[...] = win_v[pl.ds(off + _L, _L)]
    ga = pltpu.async_copy(x_hbm.at[idxa_v], rowsa_v, sem0)
    gb = pltpu.async_copy(x_hbm.at[idxb_v], rowsb_v, sem1)

    cp_in.wait()
    cp_out = pltpu.async_copy(copy_v, out_hbm.at[crow], sem2)

    def _avg_half(rows_ref, lo):
        def _avg_row(i, carry):
            for j in range(_D // _L):
                s = pl.ds(j * _L, _L)
                mid_v[lo + i, s] = 0.5 * (rows_ref[2 * i, s]
                                          + rows_ref[2 * i + 1, s])
            return carry

        lax.fori_loop(0, _EPW // 2, _avg_row, 0, unroll=False)

    ga.wait()
    _avg_half(rowsa_v, 0)
    gb.wait()
    _avg_half(rowsb_v, _EPW // 2)

    scat = pltpu.async_copy(mid_v, out_hbm.at[crow + _V], sem0)
    cp_out.wait()
    scat.wait()


def kernel(input, pool_idx):
    return _gunpool_sc(input, pool_idx.reshape(-1))

# --- scband reference (transcript-rebuilt; emitter-appended) ---
"""Pipeline reference for scband-gunpooling-44521630991153 (READ-ONLY COPY).

The authoritative reference and input builder live on the scoring server;
editing this copy changes nothing except your own understanding.
"""

import jax, jax.numpy as jnp
import numpy as np


def setup_inputs(seed: int = 0) -> dict:
    key = jax.random.key(seed)
    x = jax.random.normal(key, (462, 256), dtype=jnp.float32)
    pool_idx = jnp.array([[i, (i + 1) % 462] for i in range(462)], dtype=jnp.int32)
    return {"input": x, "pool_idx": pool_idx}


def reference(input, pool_idx):
    # new_features = input[pool_idx]  -> [E, 2, d]
    new_features = jnp.take(input, pool_idx, axis=0)
    # midpoint of each edge: average of the two endpoint features
    new_vertices = 0.5 * new_features.sum(axis=1)
    # concatenate original vertices with new midpoint vertices
    output = jnp.concatenate([input, new_vertices], axis=0)
    return output

if __name__ == "__main__":
    import jax
    _d = setup_inputs()
    print(jax.jit(kernel)(*tuple(_d.values())))

</pallas_src>

<mosaic_0001>
#map = affine_map<(d0, d1) -> (0, 0)>
#map1 = affine_map<(d0, d1) -> (0)>
module attributes {stable_mosaic.version = 14 : i64} {
  func.func @_gunpool_sc(%arg0: i32, %arg1: i32, %arg2: memref<462x256xf32, #tpu.memory_space<hbm>>, %arg3: memref<924xi32, #tpu.memory_space<hbm>>, %arg4: memref<924x256xf32, #tpu.memory_space<hbm>>, %arg5: memref<36xi32, #tpu.memory_space<vmem>>, %arg6: memref<16xi32, #tpu.memory_space<vmem>>, %arg7: memref<16xi32, #tpu.memory_space<vmem>>, %arg8: memref<16x256xf32, #tpu.memory_space<vmem>>, %arg9: memref<16x256xf32, #tpu.memory_space<vmem>>, %arg10: memref<16x256xf32, #tpu.memory_space<vmem>>, %arg11: memref<16x256xf32, #tpu.memory_space<vmem>>, %arg12: memref<!tpu.dma_semaphore, #tpu.memory_space<semaphore_mem>>, %arg13: memref<!tpu.dma_semaphore, #tpu.memory_space<semaphore_mem>>, %arg14: memref<!tpu.dma_semaphore, #tpu.memory_space<semaphore_mem>>) attributes {dimension_semantics = [#tpu.dimension_semantics<core_parallel>, #tpu.dimension_semantics<subcore_parallel>], iteration_bounds = array<i64: 2, 16>, scalar_prefetch = 0 : i64, scratch_operands = 10 : i64, tpu.core_type = #tpu.core_type<sc_vector_subcore>, window_params = [{transform_indices = #map}, {transform_indices = #map1}, {transform_indices = #map}]} {
    %mul3A = arith.constant 2 : i32
    %mul3A_0 = arith.muli %arg1, %mul3A : i32
    %add3A = arith.addi %mul3A_0, %arg0 : i32
    %mul3A_1 = arith.constant 16 : i32
    %mul3A_2 = arith.muli %add3A, %mul3A_1 : i32
    %min3A = arith.constant 446 : i32
    %min3A_3 = arith.minsi %mul3A_2, %min3A : i32
    %iota3A = tpu.iota {dimensions = array<i32: 0>} : vector<16xi32>
    %add3A_4 = vector.broadcast %min3A_3 : i32 to vector<16xi32>
    %add3A_5 = arith.addi %add3A_4, %iota3A : vector<16xi32>
    %mul3A_6 = arith.constant 32 : i32
    %mul3A_7 = arith.muli %add3A, %mul3A_6 : i32
    %min3A_8 = arith.constant 888 : i32
    %min3A_9 = arith.minsi %mul3A_7, %min3A_8 : i32
    %mul3A_10 = arith.constant 2 : i32
    %mul3A_11 = arith.muli %mul3A_10, %min3A_3 : i32
    %sub3A = arith.subi %mul3A_11, %min3A_9 : i32
    %dma_start3A = tpu.memref_slice %arg3[%min3A_9] : memref<924xi32, #tpu.memory_space<hbm>> -> memref<36xi32, #tpu.memory_space<hbm>>
    %dma_start3A_12 = tpu.memref_slice %arg3[%min3A_9] : memref<924xi32, #tpu.memory_space<hbm>> -> memref<36xi32, #tpu.memory_space<hbm>>
    tpu.enqueue_dma source(%dma_start3A_12 : memref<36xi32, #tpu.memory_space<hbm>>) target(%arg5 : memref<36xi32, #tpu.memory_space<vmem>>) target_semaphore(%arg13 : memref<!tpu.dma_semaphore, #tpu.memory_space<semaphore_mem>>)
    %dma_start3A_13 = arith.constant 0 : i32
    %dma_start3A_14 = arith.constant 0 : i32
    %dma_start3A_15 = tpu.memref_slice %arg2[%dma_start3A_13, %dma_start3A_14] : memref<462x256xf32, #tpu.memory_space<hbm>> -> memref<462x256xf32, #tpu.memory_space<hbm>>
    tpu.enqueue_indirect_dma source(%dma_start3A_15 : memref<462x256xf32, #tpu.memory_space<hbm>>) target(%arg11 : memref<16x256xf32, #tpu.memory_space<vmem>>) offsets(%add3A_5 : vector<16xi32>) semaphore(%arg14 : memref<!tpu.dma_semaphore, #tpu.memory_space<semaphore_mem>>)
    %dma_wait3A = tpu.memref_slice %arg3[%min3A_9] : memref<924xi32, #tpu.memory_space<hbm>> -> memref<36xi32, #tpu.memory_space<hbm>>
    %dma_wait3A_16 = tpu.memref_slice %arg3[%min3A_9] : memref<924xi32, #tpu.memory_space<hbm>> -> memref<36xi32, #tpu.memory_space<hbm>>
    tpu.wait_dma2 semaphore(%arg13 : memref<!tpu.dma_semaphore, #tpu.memory_space<semaphore_mem>>) src(%dma_wait3A_16 : memref<36xi32, #tpu.memory_space<hbm>>) dst(%arg5 : memref<36xi32, #tpu.memory_space<vmem>>)
    %get3A = arith.index_cast %sub3A : i32 to index
    %get3A_17 = tpu.vector_load %arg5[%get3A] {strides = array<i32>} : memref<36xi32, #tpu.memory_space<vmem>>, vector<16xi32>,
    %get3A_18 = vector.shape_cast %get3A_17 : vector<16xi32> to vector<16xi32>
    %swap3A = arith.constant 0 : index
    %swap3A_19 = tpu.vector_load %arg6[%swap3A] {strides = array<i32>} : memref<16xi32, #tpu.memory_space<vmem>>, vector<16xi32>,
    %swap3A_20 = vector.shape_cast %swap3A_19 : vector<16xi32> to vector<16xi32>
    %swap3A_21 = vector.shape_cast %get3A_18 : vector<16xi32> to vector<16xi32>
    tpu.vector_store %arg6[%swap3A], %swap3A_21 {strides = array<i32>} : memref<16xi32, #tpu.memory_space<vmem>>, vector<16xi32>,
    %add3A_22 = arith.constant 16 : i32
    %add3A_23 = arith.addi %sub3A, %add3A_22 : i32
    %get3A_24 = arith.index_cast %add3A_23 : i32 to index
    %get3A_25 = tpu.vector_load %arg5[%get3A_24] {strides = array<i32>} : memref<36xi32, #tpu.memory_space<vmem>>, vector<16xi32>,
    %get3A_26 = vector.shape_cast %get3A_25 : vector<16xi32> to vector<16xi32>
    %swap3A_27 = arith.constant 0 : index
    %swap3A_28 = tpu.vector_load %arg7[%swap3A_27] {strides = array<i32>} : memref<16xi32, #tpu.memory_space<vmem>>, vector<16xi32>,
    %swap3A_29 = vector.shape_cast %swap3A_28 : vector<16xi32> to vector<16xi32>
    %swap3A_30 = vector.shape_cast %get3A_26 : vector<16xi32> to vector<16xi32>
    tpu.vector_store %arg7[%swap3A_27], %swap3A_30 {strides = array<i32>} : memref<16xi32, #tpu.memory_space<vmem>>, vector<16xi32>,
    %dma_start3A_31 = arith.constant 0 : i32
    %dma_start3A_32 = arith.constant 0 : i32
    %dma_start3A_33 = tpu.memref_slice %arg2[%dma_start3A_31, %dma_start3A_32] : memref<462x256xf32, #tpu.memory_space<hbm>> -> memref<462x256xf32, #tpu.memory_space<hbm>>
    tpu.enqueue_indirect_dma source(%dma_start3A_33 : memref<462x256xf32, #tpu.memory_space<hbm>>) target(%arg8 : memref<16x256xf32, #tpu.memory_space<vmem>>) offsets(%arg6 : memref<16xi32, #tpu.memory_space<vmem>>) semaphore(%arg12 : memref<!tpu.dma_semaphore, #tpu.memory_space<semaphore_mem>>)
    %dma_start3A_34 = arith.constant 0 : i32
    %dma_start3A_35 = arith.constant 0 : i32
    %dma_start3A_36 = tpu.memref_slice %arg2[%dma_start3A_34, %dma_start3A_35] : memref<462x256xf32, #tpu.memory_space<hbm>> -> memref<462x256xf32, #tpu.memory_space<hbm>>
    tpu.enqueue_indirect_dma source(%dma_start3A_36 : memref<462x256xf32, #tpu.memory_space<hbm>>) target(%arg9 : memref<16x256xf32, #tpu.memory_space<vmem>>) offsets(%arg7 : memref<16xi32, #tpu.memory_space<vmem>>) semaphore(%arg13 : memref<!tpu.dma_semaphore, #tpu.memory_space<semaphore_mem>>)
    %dma_wait3A_37 = arith.constant 0 : i32
    %dma_wait3A_38 = arith.constant 0 : i32
    %dma_wait3A_39 = tpu.memref_slice %arg2[%dma_wait3A_37, %dma_wait3A_38] : memref<462x256xf32, #tpu.memory_space<hbm>> -> memref<462x256xf32, #tpu.memory_space<hbm>>
    tpu.wait_indirect_dma semaphore(%arg14 : memref<!tpu.dma_semaphore, #tpu.memory_space<semaphore_mem>>) src(%dma_wait3A_39 : memref<462x256xf32, #tpu.memory_space<hbm>>) dst(%arg11 : memref<16x256xf32, #tpu.memory_space<vmem>>)
    %dma_start3A_40 = arith.constant 0 : i32
    %dma_start3A_41 = arith.constant 0 : i32
    %dma_start3A_42 = tpu.memref_slice %arg4[%dma_start3A_40, %dma_start3A_41] : memref<924x256xf32, #tpu.memory_space<hbm>> -> memref<924x256xf32, #tpu.memory_space<hbm>>
    tpu.enqueue_indirect_dma source(%arg11 : memref<16x256xf32, #tpu.memory_space<vmem>>) target(%dma_start3A_42 : memref<924x256xf32, #tpu.memory_space<hbm>>) offsets(%add3A_5 : vector<16xi32>) semaphore(%arg14 : memref<!tpu.dma_semaphore, #tpu.memory_space<semaphore_mem>>)
    %dma_wait3A_43 = arith.constant 0 : i32
    %dma_wait3A_44 = arith.constant 0 : i32
    %dma_wait3A_45 = tpu.memref_slice %arg2[%dma_wait3A_43, %dma_wait3A_44] : memref<462x256xf32, #tpu.memory_space<hbm>> -> memref<462x256xf32, #tpu.memory_space<hbm>>
    tpu.wait_indirect_dma semaphore(%arg12 : memref<!tpu.dma_semaphore, #tpu.memory_space<semaphore_mem>>) src(%dma_wait3A_45 : memref<462x256xf32, #tpu.memory_space<hbm>>) dst(%arg8 : memref<16x256xf32, #tpu.memory_space<vmem>>)
    %scan3A = arith.constant 0 : i32
    %scan3A_46 = arith.constant 0 : i32
    %scan3A_47 = arith.constant 8 : i32
    %scan3A_48 = arith.addi %scan3A_46, %scan3A_47 : i32
    %scan3A_49 = arith.constant 1 : i32
    scf.for %scan3A_72 = %scan3A_46 to %scan3A_48 step %scan3A_49  : i32 {
      %mul3A_73 = arith.constant 2 : i32
      %mul3A_74 = arith.muli %mul3A_73, %scan3A_72 : i32
      %get3A_75 = arith.index_cast %mul3A_74 : i32 to index
      %get3A_76 = arith.constant 0 : index
      %get3A_77 = tpu.vector_load %arg8[%get3A_75, %get3A_76] {strides = array<i32>} : memref<16x256xf32, #tpu.memory_space<vmem>>, vector<1x16xf32>,
      %get3A_78 = vector.shape_cast %get3A_77 : vector<1x16xf32> to vector<16xf32>
      %mul3A_79 = arith.constant 2 : i32
      %mul3A_80 = arith.muli %mul3A_79, %scan3A_72 : i32
      %add3A_81 = arith.constant 1 : i32
      %add3A_82 = arith.addi %mul3A_80, %add3A_81 : i32
      %get3A_83 = arith.index_cast %add3A_82 : i32 to index
      %get3A_84 = arith.constant 0 : index
      %get3A_85 = tpu.vector_load %arg8[%get3A_83, %get3A_84] {strides = array<i32>} : memref<16x256xf32, #tpu.memory_space<vmem>>, vector<1x16xf32>,
      %get3A_86 = vector.shape_cast %get3A_85 : vector<1x16xf32> to vector<16xf32>
      %add3A_87 = arith.addf %get3A_78, %get3A_86 : vector<16xf32>
      %mul3A_88 = arith.constant 5.000000e-01 : f32
      %mul3A_89 = vector.broadcast %mul3A_88 : f32 to vector<16xf32>
      %mul3A_90 = arith.mulf %mul3A_89, %add3A_87 : vector<16xf32>
      %add3A_91 = arith.constant 0 : i32
      %add3A_92 = arith.addi %add3A_91, %scan3A_72 : i32
      %swap3A_93 = arith.index_cast %add3A_92 : i32 to index
      %swap3A_94 = arith.constant 0 : index
      %swap3A_95 = tpu.vector_load %arg10[%swap3A_93, %swap3A_94] {strides = array<i32>} : memref<16x256xf32, #tpu.memory_space<vmem>>, vector<1x16xf32>,
      %swap3A_96 = vector.shape_cast %swap3A_95 : vector<1x16xf32> to vector<16xf32>
      %swap3A_97 = vector.shape_cast %mul3A_90 : vector<16xf32> to vector<1x16xf32>
      tpu.vector_store %arg10[%swap3A_93, %swap3A_94], %swap3A_97 {strides = array<i32>} : memref<16x256xf32, #tpu.memory_space<vmem>>, vector<1x16xf32>,
      %mul3A_98 = arith.constant 2 : i32
      %mul3A_99 = arith.muli %mul3A_98, %scan3A_72 : i32
      %get3A_100 = arith.index_cast %mul3A_99 : i32 to index
      %get3A_101 = arith.constant 16 : index
      %get3A_102 = tpu.vector_load %arg8[%get3A_100, %get3A_101] {strides = array<i32>} : memref<16x256xf32, #tpu.memory_space<vmem>>, vector<1x16xf32>,
      %get3A_103 = vector.shape_cast %get3A_102 : vector<1x16xf32> to vector<16xf32>
      %mul3A_104 = arith.constant 2 : i32
      %mul3A_105 = arith.muli %mul3A_104, %scan3A_72 : i32
      %add3A_106 = arith.constant 1 : i32
      %add3A_107 = arith.addi %mul3A_105, %add3A_106 : i32
      %get3A_108 = arith.index_cast %add3A_107 : i32 to index
      %get3A_109 = arith.constant 16 : index
      %get3A_110 = tpu.vector_load %arg8[%get3A_108, %get3A_109] {strides = array<i32>} : memref<16x256xf32, #tpu.memory_space<vmem>>, vector<1x16xf32>,
      %get3A_111 = vector.shape_cast %get3A_110 : vector<1x16xf32> to vector<16xf32>
      %add3A_112 = arith.addf %get3A_103, %get3A_111 : vector<16xf32>
      %mul3A_113 = arith.constant 5.000000e-01 : f32
      %mul3A_114 = vector.broadcast %mul3A_113 : f32 to vector<16xf32>
      %mul3A_115 = arith.mulf %mul3A_114, %add3A_112 : vector<16xf32>
      %add3A_116 = arith.constant 0 : i32
      %add3A_117 = arith.addi %add3A_116, %scan3A_72 : i32
      %swap3A_118 = arith.index_cast %add3A_117 : i32 to index
      %swap3A_119 = arith.constant 16 : index
      %swap3A_120 = tpu.vector_load %arg10[%swap3A_118, %swap3A_119] {strides = array<i32>} : memref<16x256xf32, #tpu.memory_space<vmem>>, vector<1x16xf32>,
      %swap3A_121 = vector.shape_cast %swap3A_120 : vector<1x16xf32> to vector<16xf32>
      %swap3A_122 = vector.shape_cast %mul3A_115 : vector<16xf32> to vector<1x16xf32>
      tpu.vector_store %arg10[%swap3A_118, %swap3A_119], %swap3A_122 {strides = array<i32>} : memref<16x256xf32, #tpu.memory_space<vmem>>, vector<1x16xf32>,
      %mul3A_123 = arith.constant 2 : i32
      %mul3A_124 = arith.muli %mul3A_123, %scan3A_72 : i32
      %get3A_125 = arith.index_cast %mul3A_124 : i32 to index
      %get3A_126 = arith.constant 32 : index
      %get3A_127 = tpu.vector_load %arg8[%get3A_125, %get3A_126] {strides = array<i32>} : memref<16x256xf32, #tpu.memory_space<vmem>>, vector<1x16xf32>,
      %get3A_128 = vector.shape_cast %get3A_127 : vector<1x16xf32> to vector<16xf32>
      %mul3A_129 = arith.constant 2 : i32
      %mul3A_130 = arith.muli %mul3A_129, %scan3A_72 : i32
      %add3A_131 = arith.constant 1 : i32
      %add3A_132 = arith.addi %mul3A_130, %add3A_131 : i32
      %get3A_133 = arith.index_cast %add3A_132 : i32 to index
      %get3A_134 = arith.constant 32 : index
      %get3A_135 = tpu.vector_load %arg8[%get3A_133, %get3A_134] {strides = array<i32>} : memref<16x256xf32, #tpu.memory_space<vmem>>, vector<1x16xf32>,
      %get3A_136 = vector.shape_cast %get3A_135 : vector<1x16xf32> to vector<16xf32>
      %add3A_137 = arith.addf %get3A_128, %get3A_136 : vector<16xf32>
      %mul3A_138 = arith.constant 5.000000e-01 : f32
      %mul3A_139 = vector.broadcast %mul3A_138 : f32 to vector<16xf32>
      %mul3A_140 = arith.mulf %mul3A_139, %add3A_137 : vector<16xf32>
      %add3A_141 = arith.constant 0 : i32
      %add3A_142 = arith.addi %add3A_141, %scan3A_72 : i32
      %swap3A_143 = arith.index_cast %add3A_142 : i32 to index
      %swap3A_144 = arith.constant 32 : index
      %swap3A_145 = tpu.vector_load %arg10[%swap3A_143, %swap3A_144] {strides = array<i32>} : memref<16x256xf32, #tpu.memory_space<vmem>>, vector<1x16xf32>,
      %swap3A_146 = vector.shape_cast %swap3A_145 : vector<1x16xf32> to vector<16xf32>
      %swap3A_147 = vector.shape_cast %mul3A_140 : vector<16xf32> to vector<1x16xf32>
      tpu.vector_store %arg10[%swap3A_143, %swap3A_144], %swap3A_147 {strides = array<i32>} : memref<16x256xf32, #tpu.memory_space<vmem>>, vector<1x16xf32>,
      %mul3A_148 = arith.constant 2 : i32
      %mul3A_149 = arith.muli %mul3A_148, %scan3A_72 : i32
      %get3A_150 = arith.index_cast %mul3A_149 : i32 to index
      %get3A_151 = arith.constant 48 : index
      %get3A_152 = tpu.vector_load %arg8[%get3A_150, %get3A_151] {strides = array<i32>} : memref<16x256xf32, #tpu.memory_space<vmem>>, vector<1x16xf32>,
      %get3A_153 = vector.shape_cast %get3A_152 : vector<1x16xf32> to vector<16xf32>
      %mul3A_154 = arith.constant 2 : i32
      %mul3A_155 = arith.muli %mul3A_154, %scan3A_72 : i32
      %add3A_156 = arith.constant 1 : i32
      %add3A_157 = arith.addi %mul3A_155, %add3A_156 : i32
      %get3A_158 = arith.index_cast %add3A_157 : i32 to index
      %get3A_159 = arith.constant 48 : index
      %get3A_160 = tpu.vector_load %arg8[%get3A_158, %get3A_159] {strides = array<i32>} : memref<16x256xf32, #tpu.memory_space<vmem>>, vector<1x16xf32>,
      %get3A_161 = vector.shape_cast %get3A_160 : vector<1x16xf32> to vector<16xf32>
      %add3A_162 = arith.addf %get3A_153, %get3A_161 : vector<16xf32>
      %mul3A_163 = arith.constant 5.000000e-01 : f32
      %mul3A_164 = vector.broadcast %mul3A_163 : f32 to vector<16xf32>
      %mul3A_165 = arith.mulf %mul3A_164, %add3A_162 : vector<16xf32>
      %add3A_166 = arith.constant 0 : i32
      %add3A_167 = arith.addi %add3A_166, %scan3A_72 : i32
      %swap3A_168 = arith.index_cast %add3A_167 : i32 to index
      %swap3A_169 = arith.constant 48 : index
      %swap3A_170 = tpu.vector_load %arg10[%swap3A_168, %swap3A_169] {strides = array<i32>} : memref<16x256xf32, #tpu.memory_space<vmem>>, vector<1x16xf32>,
      %swap3A_171 = vector.shape_cast %swap3A_170 : vector<1x16xf32> to vector<16xf32>
      %swap3A_172 = vector.shape_cast %mul3A_165 : vector<16xf32> to vector<1x16xf32>
      tpu.vector_store %arg10[%swap3A_168, %swap3A_169], %swap3A_172 {strides = array<i32>} : memref<16x256xf32, #tpu.memory_space<vmem>>, vector<1x16xf32>,
      %mul3A_173 = arith.constant 2 : i32
      %mul3A_174 = arith.muli %mul3A_173, %scan3A_72 : i32
      %get3A_175 = arith.index_cast %mul3A_174 : i32 to index
      %get3A_176 = arith.constant 64 : index
      %get3A_177 = tpu.vector_load %arg8[%get3A_175, %get3A_176] {strides = array<i32>} : memref<16x256xf32, #tpu.memory_space<vmem>>, vector<1x16xf32>,
      %get3A_178 = vector.shape_cast %get3A_177 : vector<1x16xf32> to vector<16xf32>
      %mul3A_179 = arith.constant 2 : i32
      %mul3A_180 = arith.muli %mul3A_179, %scan3A_72 : i32
      %add3A_181 = arith.constant 1 : i32
      %add3A_182 = arith.addi %mul3A_180, %add3A_181 : i32
      %get3A_183 = arith.index_cast %add3A_182 : i32 to index
      %get3A_184 = arith.constant 64 : index
      %get3A_185 = tpu.vector_load %arg8[%get3A_183, %get3A_184] {strides = array<i32>} : memref<16x256xf32, #tpu.memory_space<vmem>>, vector<1x16xf32>,
      %get3A_186 = vector.shape_cast %get3A_185 : vector<1x16xf32> to vector<16xf32>
      %add3A_187 = arith.addf %get3A_178, %get3A_186 : vector<16xf32>
      %mul3A_188 = arith.constant 5.000000e-01 : f32
      %mul3A_189 = vector.broadcast %mul3A_188 : f32 to vector<16xf32>
      %mul3A_190 = arith.mulf %mul3A_189, %add3A_187 : vector<16xf32>
      %add3A_191 = arith.constant 0 : i32
      %add3A_192 = arith.addi %add3A_191, %scan3A_72 : i32
      %swap3A_193 = arith.index_cast %add3A_192 : i32 to index
      %swap3A_194 = arith.constant 64 : index
      %swap3A_195 = tpu.vector_load %arg10[%swap3A_193, %swap3A_194] {strides = array<i32>} : memref<16x256xf32, #tpu.memory_space<vmem>>, vector<1x16xf32>,
      %swap3A_196 = vector.shape_cast %swap3A_195 : vector<1x16xf32> to vector<16xf32>
      %swap3A_197 = vector.shape_cast %mul3A_190 : vector<16xf32> to vector<1x16xf32>
      tpu.vector_store %arg10[%swap3A_193, %swap3A_194], %swap3A_197 {strides = array<i32>} : memref<16x256xf32, #tpu.memory_space<vmem>>, vector<1x16xf32>,
      %mul3A_198 = arith.constant 2 : i32
      %mul3A_199 = arith.muli %mul3A_198, %scan3A_72 : i32
      %get3A_200 = arith.index_cast %mul3A_199 : i32 to index
      %get3A_201 = arith.constant 80 : index
      %get3A_202 = tpu.vector_load %arg8[%get3A_200, %get3A_201] {strides = array<i32>} : memref<16x256xf32, #tpu.memory_space<vmem>>, vector<1x16xf32>,
      %get3A_203 = vector.shape_cast %get3A_202 : vector<1x16xf32> to vector<16xf32>
      %mul3A_204 = arith.constant 2 : i32
      %mul3A_205 = arith.muli %mul3A_204, %scan3A_72 : i32
      %add3A_206 = arith.constant 1 : i32
      %add3A_207 = arith.addi %mul3A_205, %add3A_206 : i32
      %get3A_208 = arith.index_cast %add3A_207 : i32 to index
      %get3A_209 = arith.constant 80 : index
      %get3A_210 = tpu.vector_load %arg8[%get3A_208, %get3A_209] {strides = array<i32>} : memref<16x256xf32, #tpu.memory_space<vmem>>, vector<1x16xf32>,
      %get3A_211 = vector.shape_cast %get3A_210 : vector<1x16xf32> to vector<16xf32>
      %add3A_212 = arith.addf %get3A_203, %get3A_211 : vector<16xf32>
      %mul3A_213 = arith.constant 5.000000e-01 : f32
      %mul3A_214 = vector.broadcast %mul3A_213 : f32 to vector<16xf32>
      %mul3A_215 = arith.mulf %mul3A_214, %add3A_212 : vector<16xf32>
      %add3A_216 = arith.constant 0 : i32
      %add3A_217 = arith.addi %add3A_216, %scan3A_72 : i32
      %swap3A_218 = arith.index_cast %add3A_217 : i32 to index
      %swap3A_219 = arith.constant 80 : index
      %swap3A_220 = tpu.vector_load %arg10[%swap3A_218, %swap3A_219] {strides = array<i32>} : memref<16x256xf32, #tpu.memory_space<vmem>>, vector<1x16xf32>,
      %swap3A_221 = vector.shape_cast %swap3A_220 : vector<1x16xf32> to vector<16xf32>
      %swap3A_222 = vector.shape_cast %mul3A_215 : vector<16xf32> to vector<1x16xf32>
      tpu.vector_store %arg10[%swap3A_218, %swap3A_219], %swap3A_222 {strides = array<i32>} : memref<16x256xf32, #tpu.memory_space<vmem>>, vector<1x16xf32>,
      %mul3A_223 = arith.constant 2 : i32
      %mul3A_224 = arith.muli %mul3A_223, %scan3A_72 : i32
      %get3A_225 = arith.index_cast %mul3A_224 : i32 to index
      %get3A_226 = arith.constant 96 : index
      %get3A_227 = tpu.vector_load %arg8[%get3A_225, %get3A_226] {strides = array<i32>} : memref<16x256xf32, #tpu.memory_space<vmem>>, vector<1x16xf32>,
      %get3A_228 = vector.shape_cast %get3A_227 : vector<1x16xf32> to vector<16xf32>
      %mul3A_229 = arith.constant 2 : i32
      %mul3A_230 = arith.muli %mul3A_229, %scan3A_72 : i32
      %add3A_231 = arith.constant 1 : i32
      %add3A_232 = arith.addi %mul3A_230, %add3A_231 : i32
      %get3A_233 = arith.index_cast %add3A_232 : i32 to index
      %get3A_234 = arith.constant 96 : index
      %get3A_235 = tpu.vector_load %arg8[%get3A_233, %get3A_234] {strides = array<i32>} : memref<16x256xf32, #tpu.memory_space<vmem>>, vector<1x16xf32>,
      %get3A_236 = vector.shape_cast %get3A_235 : vector<1x16xf32> to vector<16xf32>
      %add3A_237 = arith.addf %get3A_228, %get3A_236 : vector<16xf32>
      %mul3A_238 = arith.constant 5.000000e-01 : f32
      %mul3A_239 = vector.broadcast %mul3A_238 : f32 to vector<16xf32>
      %mul3A_240 = arith.mulf %mul3A_239, %add3A_237 : vector<16xf32>
      %add3A_241 = arith.constant 0 : i32
      %add3A_242 = arith.addi %add3A_241, %scan3A_72 : i32
      %swap3A_243 = arith.index_cast %add3A_242 : i32 to index
      %swap3A_244 = arith.constant 96 : index
      %swap3A_245 = tpu.vector_load %arg10[%swap3A_243, %swap3A_244] {strides = array<i32>} : memref<16x256xf32, #tpu.memory_space<vmem>>, vector<1x16xf32>,
      %swap3A_246 = vector.shape_cast %swap3A_245 : vector<1x16xf32> to vector<16xf32>
      %swap3A_247 = vector.shape_cast %mul3A_240 : vector<16xf32> to vector<1x16xf32>
      tpu.vector_store %arg10[%swap3A_243, %swap3A_244], %swap3A_247 {strides = array<i32>} : memref<16x256xf32, #tpu.memory_space<vmem>>, vector<1x16xf32>,
      %mul3A_248 = arith.constant 2 : i32
      %mul3A_249 = arith.muli %mul3A_248, %scan3A_72 : i32
      %get3A_250 = arith.index_cast %mul3A_249 : i32 to index
      %get3A_251 = arith.constant 112 : index
      %get3A_252 = tpu.vector_load %arg8[%get3A_250, %get3A_251] {strides = array<i32>} : memref<16x256xf32, #tpu.memory_space<vmem>>, vector<1x16xf32>,
      %get3A_253 = vector.shape_cast %get3A_252 : vector<1x16xf32> to vector<16xf32>
      %mul3A_254 = arith.constant 2 : i32
      %mul3A_255 = arith.muli %mul3A_254, %scan3A_72 : i32
      %add3A_256 = arith.constant 1 : i32
      %add3A_257 = arith.addi %mul3A_255, %add3A_256 : i32
      %get3A_258 = arith.index_cast %add3A_257 : i32 to index
      %get3A_259 = arith.constant 112 : index
      %get3A_260 = tpu.vector_load %arg8[%get3A_258, %get3A_259] {strides = array<i32>} : memref<16x256xf32, #tpu.memory_space<vmem>>, vector<1x16xf32>,
      %get3A_261 = vector.shape_cast %get3A_260 : vector<1x16xf32> to vector<16xf32>
      %add3A_262 = arith.addf %get3A_253, %get3A_261 : vector<16xf32>
      %mul3A_263 = arith.constant 5.000000e-01 : f32
      %mul3A_264 = vector.broadcast %mul3A_263 : f32 to vector<16xf32>
      %mul3A_265 = arith.mulf %mul3A_264, %add3A_262 : vector<16xf32>
      %add3A_266 = arith.constant 0 : i32
      %add3A_267 = arith.addi %add3A_266, %scan3A_72 : i32
      %swap3A_268 = arith.index_cast %add3A_267 : i32 to index
      %swap3A_269 = arith.constant 112 : index
      %swap3A_270 = tpu.vector_load %arg10[%swap3A_268, %swap3A_269] {strides = array<i32>} : memref<16x256xf32, #tpu.memory_space<vmem>>, vector<1x16xf32>,
      %swap3A_271 = vector.shape_cast %swap3A_270 : vector<1x16xf32> to vector<16xf32>
      %swap3A_272 = vector.shape_cast %mul3A_265 : vector<16xf32> to vector<1x16xf32>
      tpu.vector_store %arg10[%swap3A_268, %swap3A_269], %swap3A_272 {strides = array<i32>} : memref<16x256xf32, #tpu.memory_space<vmem>>, vector<1x16xf32>,
      %mul3A_273 = arith.constant 2 : i32
      %mul3A_274 = arith.muli %mul3A_273, %scan3A_72 : i32
      %get3A_275 = arith.index_cast %mul3A_274 : i32 to index
      %get3A_276 = arith.constant 128 : index
      %get3A_277 = tpu.vector_load %arg8[%get3A_275, %get3A_276] {strides = array<i32>} : memref<16x256xf32, #tpu.memory_space<vmem>>, vector<1x16xf32>,
      %get3A_278 = vector.shape_cast %get3A_277 : vector<1x16xf32> to vector<16xf32>
      %mul3A_279 = arith.constant 2 : i32
      %mul3A_280 = arith.muli %mul3A_279, %scan3A_72 : i32
      %add3A_281 = arith.constant 1 : i32
      %add3A_282 = arith.addi %mul3A_280, %add3A_281 : i32
      %get3A_283 = arith.index_cast %add3A_282 : i32 to index
      %get3A_284 = arith.constant 128 : index
      %get3A_285 = tpu.vector_load %arg8[%get3A_283, %get3A_284] {strides = array<i32>} : memref<16x256xf32, #tpu.memory_space<vmem>>, vector<1x16xf32>,
      %get3A_286 = vector.shape_cast %get3A_285 : vector<1x16xf32> to vector<16xf32>
      %add3A_287 = arith.addf %get3A_278, %get3A_286 : vector<16xf32>
      %mul3A_288 = arith.constant 5.000000e-01 : f32
      %mul3A_289 = vector.broadcast %mul3A_288 : f32 to vector<16xf32>
      %mul3A_290 = arith.mulf %mul3A_289, %add3A_287 : vector<16xf32>
      %add3A_291 = arith.constant 0 : i32
      %add3A_292 = arith.addi %add3A_291, %scan3A_72 : i32
      %swap3A_293 = arith.index_cast %add3A_292 : i32 to index
      %swap3A_294 = arith.constant 128 : index
      %swap3A_295 = tpu.vector_load %arg10[%swap3A_293, %swap3A_294] {strides = array<i32>} : memref<16x256xf32, #tpu.memory_space<vmem>>, vector<1x16xf32>,
      %swap3A_296 = vector.shape_cast %swap3A_295 : vector<1x16xf32> to vector<16xf32>
      %swap3A_297 = vector.shape_cast %mul3A_290 : vector<16xf32> to vector<1x16xf32>
      tpu.vector_store %arg10[%swap3A_293, %swap3A_294], %swap3A_297 {strides = array<i32>} : memref<16x256xf32, #tpu.memory_space<vmem>>, vector<1x16xf32>,
      %mul3A_298 = arith.constant 2 : i32
      %mul3A_299 = arith.muli %mul3A_298, %scan3A_72 : i32
      %get3A_300 = arith.index_cast %mul3A_299 : i32 to index
      %get3A_301 = arith.constant 144 : index
      %get3A_302 = tpu.vector_load %arg8[%get3A_300, %get3A_301] {strides = array<i32>} : memref<16x256xf32, #tpu.memory_space<vmem>>, vector<1x16xf32>,
      %get3A_303 = vector.shape_cast %get3A_302 : vector<1x16xf32> to vector<16xf32>
      %mul3A_304 = arith.constant 2 : i32
      %mul3A_305 = arith.muli %mul3A_304, %scan3A_72 : i32
      %add3A_306 = arith.constant 1 : i32
      %add3A_307 = arith.addi %mul3A_305, %add3A_306 : i32
      %get3A_308 = arith.index_cast %add3A_307 : i32 to index
      %get3A_309 = arith.constant 144 : index
      %get3A_310 = tpu.vector_load %arg8[%get3A_308, %get3A_309] {strides = array<i32>} : memref<16x256xf32, #tpu.memory_space<vmem>>, vector<1x16xf32>,
      %get3A_311 = vector.shape_cast %get3A_310 : vector<1x16xf32> to vector<16xf32>
      %add3A_312 = arith.addf %get3A_303, %get3A_311 : vector<16xf32>
      %mul3A_313 = arith.constant 5.000000e-01 : f32
      %mul3A_314 = vector.broadcast %mul3A_313 : f32 to vector<16xf32>
      %mul3A_315 = arith.mulf %mul3A_314, %add3A_312 : vector<16xf32>
      %add3A_316 = arith.constant 0 : i32
      %add3A_317 = arith.addi %add3A_316, %scan3A_72 : i32
      %swap3A_318 = arith.index_cast %add3A_317 : i32 to index
      %swap3A_319 = arith.constant 144 : index
      %swap3A_320 = tpu.vector_load %arg10[%swap3A_318, %swap3A_319] {strides = array<i32>} : memref<16x256xf32, #tpu.memory_space<vmem>>, vector<1x16xf32>,
      %swap3A_321 = vector.shape_cast %swap3A_320 : vector<1x16xf32> to vector<16xf32>
      %swap3A_322 = vector.shape_cast %mul3A_315 : vector<16xf32> to vector<1x16xf32>
      tpu.vector_store %arg10[%swap3A_318, %swap3A_319], %swap3A_322 {strides = array<i32>} : memref<16x256xf32, #tpu.memory_space<vmem>>, vector<1x16xf32>,
      %mul3A_323 = arith.constant 2 : i32
      %mul3A_324 = arith.muli %mul3A_323, %scan3A_72 : i32
      %get3A_325 = arith.index_cast %mul3A_324 : i32 to index
      %get3A_326 = arith.constant 160 : index
      %get3A_327 = tpu.vector_load %arg8[%get3A_325, %get3A_326] {strides = array<i32>} : memref<16x256xf32, #tpu.memory_space<vmem>>, vector<1x16xf32>,
      %get3A_328 = vector.shape_cast %get3A_327 : vector<1x16xf32> to vector<16xf32>
      %mul3A_329 = arith.constant 2 : i32
      %mul3A_330 = arith.muli %mul3A_329, %scan3A_72 : i32
      %add3A_331 = arith.constant 1 : i32
      %add3A_332 = arith.addi %mul3A_330, %add3A_331 : i32
      %get3A_333 = arith.index_cast %add3A_332 : i32 to index
      %get3A_334 = arith.constant 160 : index
      %get3A_335 = tpu.vector_load %arg8[%get3A_333, %get3A_334] {strides = array<i32>} : memref<16x256xf32, #tpu.memory_space<vmem>>, vector<1x16xf32>,
      %get3A_336 = vector.shape_cast %get3A_335 : vector<1x16xf32> to vector<16xf32>
      %add3A_337 = arith.addf %get3A_328, %get3A_336 : vector<16xf32>
      %mul3A_338 = arith.constant 5.000000e-01 : f32
      %mul3A_339 = vector.broadcast %mul3A_338 : f32 to vector<16xf32>
      %mul3A_340 = arith.mulf %mul3A_339, %add3A_337 : vector<16xf32>
      %add3A_341 = arith.constant 0 : i32
      %add3A_342 = arith.addi %add3A_341, %scan3A_72 : i32
      %swap3A_343 = arith.index_cast %add3A_342 : i32 to index
      %swap3A_344 = arith.constant 160 : index
      %swap3A_345 = tpu.vector_load %arg10[%swap3A_343, %swap3A_344] {strides = array<i32>} : memref<16x256xf32, #tpu.memory_space<vmem>>, vector<1x16xf32>,
      %swap3A_346 = vector.shape_cast %swap3A_345 : vector<1x16xf32> to vector<16xf32>
      %swap3A_347 = vector.shape_cast %mul3A_340 : vector<16xf32> to vector<1x16xf32>
      tpu.vector_store %arg10[%swap3A_343, %swap3A_344], %swap3A_347 {strides = array<i32>} : memref<16x256xf32, #tpu.memory_space<vmem>>, vector<1x16xf32>,
      %mul3A_348 = arith.constant 2 : i32
      %mul3A_349 = arith.muli %mul3A_348, %scan3A_72 : i32
      %get3A_350 = arith.index_cast %mul3A_349 : i32 to index
      %get3A_351 = arith.constant 176 : index
      %get3A_352 = tpu.vector_load %arg8[%get3A_350, %get3A_351] {strides = array<i32>} : memref<16x256xf32, #tpu.memory_space<vmem>>, vector<1x16xf32>,
      %get3A_353 = vector.shape_cast %get3A_352 : vector<1x16xf32> to vector<16xf32>
      %mul3A_354 = arith.constant 2 : i32
      %mul3A_355 = arith.muli %mul3A_354, %scan3A_72 : i32
      %add3A_356 = arith.constant 1 : i32
      %add3A_357 = arith.addi %mul3A_355, %add3A_356 : i32
      %get3A_358 = arith.index_cast %add3A_357 : i32 to index
      %get3A_359 = arith.constant 176 : index
      %get3A_360 = tpu.vector_load %arg8[%get3A_358, %get3A_359] {strides = array<i32>} : memref<16x256xf32, #tpu.memory_space<vmem>>, vector<1x16xf32>,
      %get3A_361 = vector.shape_cast %get3A_360 : vector<1x16xf32> to vector<16xf32>
      %add3A_362 = arith.addf %get3A_353, %get3A_361 : vector<16xf32>
      %mul3A_363 = arith.constant 5.000000e-01 : f32
      %mul3A_364 = vector.broadcast %mul3A_363 : f32 to vector<16xf32>
      %mul3A_365 = arith.mulf %mul3A_364, %add3A_362 : vector<16xf32>
      %add3A_366 = arith.constant 0 : i32
      %add3A_367 = arith.addi %add3A_366, %scan3A_72 : i32
      %swap3A_368 = arith.index_cast %add3A_367 : i32 to index
      %swap3A_369 = arith.constant 176 : index
      %swap3A_370 = tpu.vector_load %arg10[%swap3A_368, %swap3A_369] {strides = array<i32>} : memref<16x256xf32, #tpu.memory_space<vmem>>, vector<1x16xf32>,
      %swap3A_371 = vector.shape_cast %swap3A_370 : vector<1x16xf32> to vector<16xf32>
      %swap3A_372 = vector.shape_cast %mul3A_365 : vector<16xf32> to vector<1x16xf32>
      tpu.vector_store %arg10[%swap3A_368, %swap3A_369], %swap3A_372 {strides = array<i32>} : memref<16x256xf32, #tpu.memory_space<vmem>>, vector<1x16xf32>,
      %mul3A_373 = arith.constant 2 : i32
      %mul3A_374 = arith.muli %mul3A_373, %scan3A_72 : i32
      %get3A_375 = arith.index_cast %mul3A_374 : i32 to index
      %get3A_376 = arith.constant 192 : index
      %get3A_377 = tpu.vector_load %arg8[%get3A_375, %get3A_376] {strides = array<i32>} : memref<16x256xf32, #tpu.memory_space<vmem>>, vector<1x16xf32>,
      %get3A_378 = vector.shape_cast %get3A_377 : vector<1x16xf32> to vector<16xf32>
      %mul3A_379 = arith.constant 2 : i32
      %mul3A_380 = arith.muli %mul3A_379, %scan3A_72 : i32
      %add3A_381 = arith.constant 1 : i32
      %add3A_382 = arith.addi %mul3A_380, %add3A_381 : i32
      %get3A_383 = arith.index_cast %add3A_382 : i32 to index
      %get3A_384 = arith.constant 192 : index
      %get3A_385 = tpu.vector_load %arg8[%get3A_383, %get3A_384] {strides = array<i32>} : memref<16x256xf32, #tpu.memory_space<vmem>>, vector<1x16xf32>,
      %get3A_386 = vector.shape_cast %get3A_385 : vector<1x16xf32> to vector<16xf32>
      %add3A_387 = arith.addf %get3A_378, %get3A_386 : vector<16xf32>
      %mul3A_388 = arith.constant 5.000000e-01 : f32
      %mul3A_389 = vector.broadcast %mul3A_388 : f32 to vector<16xf32>
      %mul3A_390 = arith.mulf %mul3A_389, %add3A_387 : vector<16xf32>
      %add3A_391 = arith.constant 0 : i32
      %add3A_392 = arith.addi %add3A_391, %scan3A_72 : i32
      %swap3A_393 = arith.index_cast %add3A_392 : i32 to index
      %swap3A_394 = arith.constant 192 : index
      %swap3A_395 = tpu.vector_load %arg10[%swap3A_393, %swap3A_394] {strides = array<i32>} : memref<16x256xf32, #tpu.memory_space<vmem>>, vector<1x16xf32>,
      %swap3A_396 = vector.shape_cast %swap3A_395 : vector<1x16xf32> to vector<16xf32>
      %swap3A_397 = vector.shape_cast %mul3A_390 : vector<16xf32> to vector<1x16xf32>
      tpu.vector_store %arg10[%swap3A_393, %swap3A_394], %swap3A_397 {strides = array<i32>} : memref<16x256xf32, #tpu.memory_space<vmem>>, vector<1x16xf32>,
      %mul3A_398 = arith.constant 2 : i32
      %mul3A_399 = arith.muli %mul3A_398, %scan3A_72 : i32
      %get3A_400 = arith.index_cast %mul3A_399 : i32 to index
      %get3A_401 = arith.constant 208 : index
      %get3A_402 = tpu.vector_load %arg8[%get3A_400, %get3A_401] {strides = array<i32>} : memref<16x256xf32, #tpu.memory_space<vmem>>, vector<1x16xf32>,
      %get3A_403 = vector.shape_cast %get3A_402 : vector<1x16xf32> to vector<16xf32>
      %mul3A_404 = arith.constant 2 : i32
      %mul3A_405 = arith.muli %mul3A_404, %scan3A_72 : i32
      %add3A_406 = arith.constant 1 : i32
      %add3A_407 = arith.addi %mul3A_405, %add3A_406 : i32
      %get3A_408 = arith.index_cast %add3A_407 : i32 to index
      %get3A_409 = arith.constant 208 : index
      %get3A_410 = tpu.vector_load %arg8[%get3A_408, %get3A_409] {strides = array<i32>} : memref<16x256xf32, #tpu.memory_space<vmem>>, vector<1x16xf32>,
      %get3A_411 = vector.shape_cast %get3A_410 : vector<1x16xf32> to vector<16xf32>
      %add3A_412 = arith.addf %get3A_403, %get3A_411 : vector<16xf32>
      %mul3A_413 = arith.constant 5.000000e-01 : f32
      %mul3A_414 = vector.broadcast %mul3A_413 : f32 to vector<16xf32>
      %mul3A_415 = arith.mulf %mul3A_414, %add3A_412 : vector<16xf32>
      %add3A_416 = arith.constant 0 : i32
      %add3A_417 = arith.addi %add3A_416, %scan3A_72 : i32
      %swap3A_418 = arith.index_cast %add3A_417 : i32 to index
      %swap3A_419 = arith.constant 208 : index
      %swap3A_420 = tpu.vector_load %arg10[%swap3A_418, %swap3A_419] {strides = array<i32>} : memref<16x256xf32, #tpu.memory_space<vmem>>, vector<1x16xf32>,
      %swap3A_421 = vector.shape_cast %swap3A_420 : vector<1x16xf32> to vector<16xf32>
      %swap3A_422 = vector.shape_cast %mul3A_415 : vector<16xf32> to vector<1x16xf32>
      tpu.vector_store %arg10[%swap3A_418, %swap3A_419], %swap3A_422 {strides = array<i32>} : memref<16x256xf32, #tpu.memory_space<vmem>>, vector<1x16xf32>,
      %mul3A_423 = arith.constant 2 : i32
      %mul3A_424 = arith.muli %mul3A_423, %scan3A_72 : i32
      %get3A_425 = arith.index_cast %mul3A_424 : i32 to index
      %get3A_426 = arith.constant 224 : index
      %get3A_427 = tpu.vector_load %arg8[%get3A_425, %get3A_426] {strides = array<i32>} : memref<16x256xf32, #tpu.memory_space<vmem>>, vector<1x16xf32>,
      %get3A_428 = vector.shape_cast %get3A_427 : vector<1x16xf32> to vector<16xf32>
      %mul3A_429 = arith.constant 2 : i32
      %mul3A_430 = arith.muli %mul3A_429, %scan3A_72 : i32
      %add3A_431 = arith.constant 1 : i32
      %add3A_432 = arith.addi %mul3A_430, %add3A_431 : i32
      %get3A_433 = arith.index_cast %add3A_432 : i32 to index
      %get3A_434 = arith.constant 224 : index
      %get3A_435 = tpu.vector_load %arg8[%get3A_433, %get3A_434] {strides = array<i32>} : memref<16x256xf32, #tpu.memory_space<vmem>>, vector<1x16xf32>,
      %get3A_436 = vector.shape_cast %get3A_435 : vector<1x16xf32> to vector<16xf32>
      %add3A_437 = arith.addf %get3A_428, %get3A_436 : vector<16xf32>
      %mul3A_438 = arith.constant 5.000000e-01 : f32
      %mul3A_439 = vector.broadcast %mul3A_438 : f32 to vector<16xf32>
      %mul3A_440 = arith.mulf %mul3A_439, %add3A_437 : vector<16xf32>
      %add3A_441 = arith.constant 0 : i32
      %add3A_442 = arith.addi %add3A_441, %scan3A_72 : i32
      %swap3A_443 = arith.index_cast %add3A_442 : i32 to index
      %swap3A_444 = arith.constant 224 : index
      %swap3A_445 = tpu.vector_load %arg10[%swap3A_443, %swap3A_444] {strides = array<i32>} : memref<16x256xf32, #tpu.memory_space<vmem>>, vector<1x16xf32>,
      %swap3A_446 = vector.shape_cast %swap3A_445 : vector<1x16xf32> to vector<16xf32>
      %swap3A_447 = vector.shape_cast %mul3A_440 : vector<16xf32> to vector<1x16xf32>
      tpu.vector_store %arg10[%swap3A_443, %swap3A_444], %swap3A_447 {strides = array<i32>} : memref<16x256xf32, #tpu.memory_space<vmem>>, vector<1x16xf32>,
      %mul3A_448 = arith.constant 2 : i32
      %mul3A_449 = arith.muli %mul3A_448, %scan3A_72 : i32
      %get3A_450 = arith.index_cast %mul3A_449 : i32 to index
      %get3A_451 = arith.constant 240 : index
      %get3A_452 = tpu.vector_load %arg8[%get3A_450, %get3A_451] {strides = array<i32>} : memref<16x256xf32, #tpu.memory_space<vmem>>, vector<1x16xf32>,
      %get3A_453 = vector.shape_cast %get3A_452 : vector<1x16xf32> to vector<16xf32>
      %mul3A_454 = arith.constant 2 : i32
      %mul3A_455 = arith.muli %mul3A_454, %scan3A_72 : i32
      %add3A_456 = arith.constant 1 : i32
      %add3A_457 = arith.addi %mul3A_455, %add3A_456 : i32
      %get3A_458 = arith.index_cast %add3A_457 : i32 to index
      %get3A_459 = arith.constant 240 : index
      %get3A_460 = tpu.vector_load %arg8[%get3A_458, %get3A_459] {strides = array<i32>} : memref<16x256xf32, #tpu.memory_space<vmem>>, vector<1x16xf32>,
      %get3A_461 = vector.shape_cast %get3A_460 : vector<1x16xf32> to vector<16xf32>
      %add3A_462 = arith.addf %get3A_453, %get3A_461 : vector<16xf32>
      %mul3A_463 = arith.constant 5.000000e-01 : f32
      %mul3A_464 = vector.broadcast %mul3A_463 : f32 to vector<16xf32>
      %mul3A_465 = arith.mulf %mul3A_464, %add3A_462 : vector<16xf32>
      %add3A_466 = arith.constant 0 : i32
      %add3A_467 = arith.addi %add3A_466, %scan3A_72 : i32
      %swap3A_468 = arith.index_cast %add3A_467 : i32 to index
      %swap3A_469 = arith.constant 240 : index
      %swap3A_470 = tpu.vector_load %arg10[%swap3A_468, %swap3A_469] {strides = array<i32>} : memref<16x256xf32, #tpu.memory_space<vmem>>, vector<1x16xf32>,
      %swap3A_471 = vector.shape_cast %swap3A_470 : vector<1x16xf32> to vector<16xf32>
      %swap3A_472 = vector.shape_cast %mul3A_465 : vector<16xf32> to vector<1x16xf32>
      tpu.vector_store %arg10[%swap3A_468, %swap3A_469], %swap3A_472 {strides = array<i32>} : memref<16x256xf32, #tpu.memory_space<vmem>>, vector<1x16xf32>,
    }
    %scan3A_50 = arith.constant 8 : i32
    %dma_wait3A_51 = arith.constant 0 : i32
    %dma_wait3A_52 = arith.constant 0 : i32
    %dma_wait3A_53 = tpu.memref_slice %arg2[%dma_wait3A_51, %dma_wait3A_52] : memref<462x256xf32, #tpu.memory_space<hbm>> -> memref<462x256xf32, #tpu.memory_space<hbm>>
    tpu.wait_indirect_dma semaphore(%arg13 : memref<!tpu.dma_semaphore, #tpu.memory_space<semaphore_mem>>) src(%dma_wait3A_53 : memref<462x256xf32, #tpu.memory_space<hbm>>) dst(%arg9 : memref<16x256xf32, #tpu.memory_space<vmem>>)
    %scan3A_54 = arith.constant 0 : i32
    %scan3A_55 = arith.constant 0 : i32
    %scan3A_56 = arith.constant 8 : i32
    %scan3A_57 = arith.addi %scan3A_55, %scan3A_56 : i32
    %scan3A_58 = arith.constant 1 : i32
    scf.for %scan3A_72 = %scan3A_55 to %scan3A_57 step %scan3A_58  : i32 {
      %mul3A_73 = arith.constant 2 : i32
      %mul3A_74 = arith.muli %mul3A_73, %scan3A_72 : i32
      %get3A_75 = arith.index_cast %mul3A_74 : i32 to index
      %get3A_76 = arith.constant 0 : index
      %get3A_77 = tpu.vector_load %arg9[%get3A_75, %get3A_76] {strides = array<i32>} : memref<16x256xf32, #tpu.memory_space<vmem>>, vector<1x16xf32>,
      %get3A_78 = vector.shape_cast %get3A_77 : vector<1x16xf32> to vector<16xf32>
      %mul3A_79 = arith.constant 2 : i32
      %mul3A_80 = arith.muli %mul3A_79, %scan3A_72 : i32
      %add3A_81 = arith.constant 1 : i32
      %add3A_82 = arith.addi %mul3A_80, %add3A_81 : i32
      %get3A_83 = arith.index_cast %add3A_82 : i32 to index
      %get3A_84 = arith.constant 0 : index
      %get3A_85 = tpu.vector_load %arg9[%get3A_83, %get3A_84] {strides = array<i32>} : memref<16x256xf32, #tpu.memory_space<vmem>>, vector<1x16xf32>,
      %get3A_86 = vector.shape_cast %get3A_85 : vector<1x16xf32> to vector<16xf32>
      %add3A_87 = arith.addf %get3A_78, %get3A_86 : vector<16xf32>
      %mul3A_88 = arith.constant 5.000000e-01 : f32
      %mul3A_89 = vector.broadcast %mul3A_88 : f32 to vector<16xf32>
      %mul3A_90 = arith.mulf %mul3A_89, %add3A_87 : vector<16xf32>
      %add3A_91 = arith.constant 8 : i32
      %add3A_92 = arith.addi %add3A_91, %scan3A_72 : i32
      %swap3A_93 = arith.index_cast %add3A_92 : i32 to index
      %swap3A_94 = arith.constant 0 : index
      %swap3A_95 = tpu.vector_load %arg10[%swap3A_93, %swap3A_94] {strides = array<i32>} : memref<16x256xf32, #tpu.memory_space<vmem>>, vector<1x16xf32>,
      %swap3A_96 = vector.shape_cast %swap3A_95 : vector<1x16xf32> to vector<16xf32>
      %swap3A_97 = vector.shape_cast %mul3A_90 : vector<16xf32> to vector<1x16xf32>
      tpu.vector_store %arg10[%swap3A_93, %swap3A_94], %swap3A_97 {strides = array<i32>} : memref<16x256xf32, #tpu.memory_space<vmem>>, vector<1x16xf32>,
      %mul3A_98 = arith.constant 2 : i32
      %mul3A_99 = arith.muli %mul3A_98, %scan3A_72 : i32
      %get3A_100 = arith.index_cast %mul3A_99 : i32 to index
      %get3A_101 = arith.constant 16 : index
      %get3A_102 = tpu.vector_load %arg9[%get3A_100, %get3A_101] {strides = array<i32>} : memref<16x256xf32, #tpu.memory_space<vmem>>, vector<1x16xf32>,
      %get3A_103 = vector.shape_cast %get3A_102 : vector<1x16xf32> to vector<16xf32>
      %mul3A_104 = arith.constant 2 : i32
      %mul3A_105 = arith.muli %mul3A_104, %scan3A_72 : i32
      %add3A_106 = arith.constant 1 : i32
      %add3A_107 = arith.addi %mul3A_105, %add3A_106 : i32
      %get3A_108 = arith.index_cast %add3A_107 : i32 to index
      %get3A_109 = arith.constant 16 : index
      %get3A_110 = tpu.vector_load %arg9[%get3A_108, %get3A_109] {strides = array<i32>} : memref<16x256xf32, #tpu.memory_space<vmem>>, vector<1x16xf32>,
      %get3A_111 = vector.shape_cast %get3A_110 : vector<1x16xf32> to vector<16xf32>
      %add3A_112 = arith.addf %get3A_103, %get3A_111 : vector<16xf32>
      %mul3A_113 = arith.constant 5.000000e-01 : f32
      %mul3A_114 = vector.broadcast %mul3A_113 : f32 to vector<16xf32>
      %mul3A_115 = arith.mulf %mul3A_114, %add3A_112 : vector<16xf32>
      %add3A_116 = arith.constant 8 : i32
      %add3A_117 = arith.addi %add3A_116, %scan3A_72 : i32
      %swap3A_118 = arith.index_cast %add3A_117 : i32 to index
      %swap3A_119 = arith.constant 16 : index
      %swap3A_120 = tpu.vector_load %arg10[%swap3A_118, %swap3A_119] {strides = array<i32>} : memref<16x256xf32, #tpu.memory_space<vmem>>, vector<1x16xf32>,
      %swap3A_121 = vector.shape_cast %swap3A_120 : vector<1x16xf32> to vector<16xf32>
      %swap3A_122 = vector.shape_cast %mul3A_115 : vector<16xf32> to vector<1x16xf32>
      tpu.vector_store %arg10[%swap3A_118, %swap3A_119], %swap3A_122 {strides = array<i32>} : memref<16x256xf32, #tpu.memory_space<vmem>>, vector<1x16xf32>,
      %mul3A_123 = arith.constant 2 : i32
      %mul3A_124 = arith.muli %mul3A_123, %scan3A_72 : i32
      %get3A_125 = arith.index_cast %mul3A_124 : i32 to index
      %get3A_126 = arith.constant 32 : index
      %get3A_127 = tpu.vector_load %arg9[%get3A_125, %get3A_126] {strides = array<i32>} : memref<16x256xf32, #tpu.memory_space<vmem>>, vector<1x16xf32>,
      %get3A_128 = vector.shape_cast %get3A_127 : vector<1x16xf32> to vector<16xf32>
      %mul3A_129 = arith.constant 2 : i32
      %mul3A_130 = arith.muli %mul3A_129, %scan3A_72 : i32
      %add3A_131 = arith.constant 1 : i32
      %add3A_132 = arith.addi %mul3A_130, %add3A_131 : i32
      %get3A_133 = arith.index_cast %add3A_132 : i32 to index
      %get3A_134 = arith.constant 32 : index
      %get3A_135 = tpu.vector_load %arg9[%get3A_133, %get3A_134] {strides = array<i32>} : memref<16x256xf32, #tpu.memory_space<vmem>>, vector<1x16xf32>,
      %get3A_136 = vector.shape_cast %get3A_135 : vector<1x16xf32> to vector<16xf32>
      %add3A_137 = arith.addf %get3A_128, %get3A_136 : vector<16xf32>
      %mul3A_138 = arith.constant 5.000000e-01 : f32
      %mul3A_139 = vector.broadcast %mul3A_138 : f32 to vector<16xf32>
      %mul3A_140 = arith.mulf %mul3A_139, %add3A_137 : vector<16xf32>
      %add3A_141 = arith.constant 8 : i32
      %add3A_142 = arith.addi %add3A_141, %scan3A_72 : i32
      %swap3A_143 = arith.index_cast %add3A_142 : i32 to index
      %swap3A_144 = arith.constant 32 : index
      %swap3A_145 = tpu.vector_load %arg10[%swap3A_143, %swap3A_144] {strides = array<i32>} : memref<16x256xf32, #tpu.memory_space<vmem>>, vector<1x16xf32>,
      %swap3A_146 = vector.shape_cast %swap3A_145 : vector<1x16xf32> to vector<16xf32>
      %swap3A_147 = vector.shape_cast %mul3A_140 : vector<16xf32> to vector<1x16xf32>
      tpu.vector_store %arg10[%swap3A_143, %swap3A_144], %swap3A_147 {strides = array<i32>} : memref<16x256xf32, #tpu.memory_space<vmem>>, vector<1x16xf32>,
      %mul3A_148 = arith.constant 2 : i32
      %mul3A_149 = arith.muli %mul3A_148, %scan3A_72 : i32
      %get3A_150 = arith.index_cast %mul3A_149 : i32 to index
      %get3A_151 = arith.constant 48 : index
      %get3A_152 = tpu.vector_load %arg9[%get3A_150, %get3A_151] {strides = array<i32>} : memref<16x256xf32, #tpu.memory_space<vmem>>, vector<1x16xf32>,
      %get3A_153 = vector.shape_cast %get3A_152 : vector<1x16xf32> to vector<16xf32>
      %mul3A_154 = arith.constant 2 : i32
      %mul3A_155 = arith.muli %mul3A_154, %scan3A_72 : i32
      %add3A_156 = arith.constant 1 : i32
      %add3A_157 = arith.addi %mul3A_155, %add3A_156 : i32
      %get3A_158 = arith.index_cast %add3A_157 : i32 to index
      %get3A_159 = arith.constant 48 : index
      %get3A_160 = tpu.vector_load %arg9[%get3A_158, %get3A_159] {strides = array<i32>} : memref<16x256xf32, #tpu.memory_space<vmem>>, vector<1x16xf32>,
      %get3A_161 = vector.shape_cast %get3A_160 : vector<1x16xf32> to vector<16xf32>
      %add3A_162 = arith.addf %get3A_153, %get3A_161 : vector<16xf32>
      %mul3A_163 = arith.constant 5.000000e-01 : f32
      %mul3A_164 = vector.broadcast %mul3A_163 : f32 to vector<16xf32>
      %mul3A_165 = arith.mulf %mul3A_164, %add3A_162 : vector<16xf32>
      %add3A_166 = arith.constant 8 : i32
      %add3A_167 = arith.addi %add3A_166, %scan3A_72 : i32
      %swap3A_168 = arith.index_cast %add3A_167 : i32 to index
      %swap3A_169 = arith.constant 48 : index
      %swap3A_170 = tpu.vector_load %arg10[%swap3A_168, %swap3A_169] {strides = array<i32>} : memref<16x256xf32, #tpu.memory_space<vmem>>, vector<1x16xf32>,
      %swap3A_171 = vector.shape_cast %swap3A_170 : vector<1x16xf32> to vector<16xf32>
      %swap3A_172 = vector.shape_cast %mul3A_165 : vector<16xf32> to vector<1x16xf32>
      tpu.vector_store %arg10[%swap3A_168, %swap3A_169], %swap3A_172 {strides = array<i32>} : memref<16x256xf32, #tpu.memory_space<vmem>>, vector<1x16xf32>,
      %mul3A_173 = arith.constant 2 : i32
      %mul3A_174 = arith.muli %mul3A_173, %scan3A_72 : i32
      %get3A_175 = arith.index_cast %mul3A_174 : i32 to index
      %get3A_176 = arith.constant 64 : index
      %get3A_177 = tpu.vector_load %arg9[%get3A_175, %get3A_176] {strides = array<i32>} : memref<16x256xf32, #tpu.memory_space<vmem>>, vector<1x16xf32>,
      %get3A_178 = vector.shape_cast %get3A_177 : vector<1x16xf32> to vector<16xf32>
      %mul3A_179 = arith.constant 2 : i32
      %mul3A_180 = arith.muli %mul3A_179, %scan3A_72 : i32
      %add3A_181 = arith.constant 1 : i32
      %add3A_182 = arith.addi %mul3A_180, %add3A_181 : i32
      %get3A_183 = arith.index_cast %add3A_182 : i32 to index
      %get3A_184 = arith.constant 64 : index
      %get3A_185 = tpu.vector_load %arg9[%get3A_183, %get3A_184] {strides = array<i32>} : memref<16x256xf32, #tpu.memory_space<vmem>>, vector<1x16xf32>,
      %get3A_186 = vector.shape_cast %get3A_185 : vector<1x16xf32> to vector<16xf32>
      %add3A_187 = arith.addf %get3A_178, %get3A_186 : vector<16xf32>
      %mul3A_188 = arith.constant 5.000000e-01 : f32
      %mul3A_189 = vector.broadcast %mul3A_188 : f32 to vector<16xf32>
      %mul3A_190 = arith.mulf %mul3A_189, %add3A_187 : vector<16xf32>
      %add3A_191 = arith.constant 8 : i32
      %add3A_192 = arith.addi %add3A_191, %scan3A_72 : i32
      %swap3A_193 = arith.index_cast %add3A_192 : i32 to index
      %swap3A_194 = arith.constant 64 : index
      %swap3A_195 = tpu.vector_load %arg10[%swap3A_193, %swap3A_194] {strides = array<i32>} : memref<16x256xf32, #tpu.memory_space<vmem>>, vector<1x16xf32>,
      %swap3A_196 = vector.shape_cast %swap3A_195 : vector<1x16xf32> to vector<16xf32>
      %swap3A_197 = vector.shape_cast %mul3A_190 : vector<16xf32> to vector<1x16xf32>
      tpu.vector_store %arg10[%swap3A_193, %swap3A_194], %swap3A_197 {strides = array<i32>} : memref<16x256xf32, #tpu.memory_space<vmem>>, vector<1x16xf32>,
      %mul3A_198 = arith.constant 2 : i32
      %mul3A_199 = arith.muli %mul3A_198, %scan3A_72 : i32
      %get3A_200 = arith.index_cast %mul3A_199 : i32 to index
      %get3A_201 = arith.constant 80 : index
      %get3A_202 = tpu.vector_load %arg9[%get3A_200, %get3A_201] {strides = array<i32>} : memref<16x256xf32, #tpu.memory_space<vmem>>, vector<1x16xf32>,
      %get3A_203 = vector.shape_cast %get3A_202 : vector<1x16xf32> to vector<16xf32>
      %mul3A_204 = arith.constant 2 : i32
      %mul3A_205 = arith.muli %mul3A_204, %scan3A_72 : i32
      %add3A_206 = arith.constant 1 : i32
      %add3A_207 = arith.addi %mul3A_205, %add3A_206 : i32
      %get3A_208 = arith.index_cast %add3A_207 : i32 to index
      %get3A_209 = arith.constant 80 : index
      %get3A_210 = tpu.vector_load %arg9[%get3A_208, %get3A_209] {strides = array<i32>} : memref<16x256xf32, #tpu.memory_space<vmem>>, vector<1x16xf32>,
      %get3A_211 = vector.shape_cast %get3A_210 : vector<1x16xf32> to vector<16xf32>
      %add3A_212 = arith.addf %get3A_203, %get3A_211 : vector<16xf32>
      %mul3A_213 = arith.constant 5.000000e-01 : f32
      %mul3A_214 = vector.broadcast %mul3A_213 : f32 to vector<16xf32>
      %mul3A_215 = arith.mulf %mul3A_214, %add3A_212 : vector<16xf32>
      %add3A_216 = arith.constant 8 : i32
      %add3A_217 = arith.addi %add3A_216, %scan3A_72 : i32
      %swap3A_218 = arith.index_cast %add3A_217 : i32 to index
      %swap3A_219 = arith.constant 80 : index
      %swap3A_220 = tpu.vector_load %arg10[%swap3A_218, %swap3A_219] {strides = array<i32>} : memref<16x256xf32, #tpu.memory_space<vmem>>, vector<1x16xf32>,
      %swap3A_221 = vector.shape_cast %swap3A_220 : vector<1x16xf32> to vector<16xf32>
      %swap3A_222 = vector.shape_cast %mul3A_215 : vector<16xf32> to vector<1x16xf32>
      tpu.vector_store %arg10[%swap3A_218, %swap3A_219], %swap3A_222 {strides = array<i32>} : memref<16x256xf32, #tpu.memory_space<vmem>>, vector<1x16xf32>,
      %mul3A_223 = arith.constant 2 : i32
      %mul3A_224 = arith.muli %mul3A_223, %scan3A_72 : i32
      %get3A_225 = arith.index_cast %mul3A_224 : i32 to index
      %get3A_226 = arith.constant 96 : index
      %get3A_227 = tpu.vector_load %arg9[%get3A_225, %get3A_226] {strides = array<i32>} : memref<16x256xf32, #tpu.memory_space<vmem>>, vector<1x16xf32>,
      %get3A_228 = vector.shape_cast %get3A_227 : vector<1x16xf32> to vector<16xf32>
      %mul3A_229 = arith.constant 2 : i32
      %mul3A_230 = arith.muli %mul3A_229, %scan3A_72 : i32
      %add3A_231 = arith.constant 1 : i32
      %add3A_232 = arith.addi %mul3A_230, %add3A_231 : i32
      %get3A_233 = arith.index_cast %add3A_232 : i32 to index
      %get3A_234 = arith.constant 96 : index
      %get3A_235 = tpu.vector_load %arg9[%get3A_233, %get3A_234] {strides = array<i32>} : memref<16x256xf32, #tpu.memory_space<vmem>>, vector<1x16xf32>,
      %get3A_236 = vector.shape_cast %get3A_235 : vector<1x16xf32> to vector<16xf32>
      %add3A_237 = arith.addf %get3A_228, %get3A_236 : vector<16xf32>
      %mul3A_238 = arith.constant 5.000000e-01 : f32
      %mul3A_239 = vector.broadcast %mul3A_238 : f32 to vector<16xf32>
      %mul3A_240 = arith.mulf %mul3A_239, %add3A_237 : vector<16xf32>
      %add3A_241 = arith.constant 8 : i32
      %add3A_242 = arith.addi %add3A_241, %scan3A_72 : i32
      %swap3A_243 = arith.index_cast %add3A_242 : i32 to index
      %swap3A_244 = arith.constant 96 : index
      %swap3A_245 = tpu.vector_load %arg10[%swap3A_243, %swap3A_244] {strides = array<i32>} : memref<16x256xf32, #tpu.memory_space<vmem>>, vector<1x16xf32>,
      %swap3A_246 = vector.shape_cast %swap3A_245 : vector<1x16xf32> to vector<16xf32>
      %swap3A_247 = vector.shape_cast %mul3A_240 : vector<16xf32> to vector<1x16xf32>
      tpu.vector_store %arg10[%swap3A_243, %swap3A_244], %swap3A_247 {strides = array<i32>} : memref<16x256xf32, #tpu.memory_space<vmem>>, vector<1x16xf32>,
      %mul3A_248 = arith.constant 2 : i32
      %mul3A_249 = arith.muli %mul3A_248, %scan3A_72 : i32
      %get3A_250 = arith.index_cast %mul3A_249 : i32 to index
      %get3A_251 = arith.constant 112 : index
      %get3A_252 = tpu.vector_load %arg9[%get3A_250, %get3A_251] {strides = array<i32>} : memref<16x256xf32, #tpu.memory_space<vmem>>, vector<1x16xf32>,
      %get3A_253 = vector.shape_cast %get3A_252 : vector<1x16xf32> to vector<16xf32>
      %mul3A_254 = arith.constant 2 : i32
      %mul3A_255 = arith.muli %mul3A_254, %scan3A_72 : i32
      %add3A_256 = arith.constant 1 : i32
      %add3A_257 = arith.addi %mul3A_255, %add3A_256 : i32
      %get3A_258 = arith.index_cast %add3A_257 : i32 to index
      %get3A_259 = arith.constant 112 : index
      %get3A_260 = tpu.vector_load %arg9[%get3A_258, %get3A_259] {strides = array<i32>} : memref<16x256xf32, #tpu.memory_space<vmem>>, vector<1x16xf32>,
      %get3A_261 = vector.shape_cast %get3A_260 : vector<1x16xf32> to vector<16xf32>
      %add3A_262 = arith.addf %get3A_253, %get3A_261 : vector<16xf32>
      %mul3A_263 = arith.constant 5.000000e-01 : f32
      %mul3A_264 = vector.broadcast %mul3A_263 : f32 to vector<16xf32>
      %mul3A_265 = arith.mulf %mul3A_264, %add3A_262 : vector<16xf32>
      %add3A_266 = arith.constant 8 : i32
      %add3A_267 = arith.addi %add3A_266, %scan3A_72 : i32
      %swap3A_268 = arith.index_cast %add3A_267 : i32 to index
      %swap3A_269 = arith.constant 112 : index
      %swap3A_270 = tpu.vector_load %arg10[%swap3A_268, %swap3A_269] {strides = array<i32>} : memref<16x256xf32, #tpu.memory_space<vmem>>, vector<1x16xf32>,
      %swap3A_271 = vector.shape_cast %swap3A_270 : vector<1x16xf32> to vector<16xf32>
      %swap3A_272 = vector.shape_cast %mul3A_265 : vector<16xf32> to vector<1x16xf32>
      tpu.vector_store %arg10[%swap3A_268, %swap3A_269], %swap3A_272 {strides = array<i32>} : memref<16x256xf32, #tpu.memory_space<vmem>>, vector<1x16xf32>,
      %mul3A_273 = arith.constant 2 : i32
      %mul3A_274 = arith.muli %mul3A_273, %scan3A_72 : i32
      %get3A_275 = arith.index_cast %mul3A_274 : i32 to index
      %get3A_276 = arith.constant 128 : index
      %get3A_277 = tpu.vector_load %arg9[%get3A_275, %get3A_276] {strides = array<i32>} : memref<16x256xf32, #tpu.memory_space<vmem>>, vector<1x16xf32>,
      %get3A_278 = vector.shape_cast %get3A_277 : vector<1x16xf32> to vector<16xf32>
      %mul3A_279 = arith.constant 2 : i32
      %mul3A_280 = arith.muli %mul3A_279, %scan3A_72 : i32
      %add3A_281 = arith.constant 1 : i32
      %add3A_282 = arith.addi %mul3A_280, %add3A_281 : i32
      %get3A_283 = arith.index_cast %add3A_282 : i32 to index
      %get3A_284 = arith.constant 128 : index
      %get3A_285 = tpu.vector_load %arg9[%get3A_283, %get3A_284] {strides = array<i32>} : memref<16x256xf32, #tpu.memory_space<vmem>>, vector<1x16xf32>,
      %get3A_286 = vector.shape_cast %get3A_285 : vector<1x16xf32> to vector<16xf32>
      %add3A_287 = arith.addf %get3A_278, %get3A_286 : vector<16xf32>
      %mul3A_288 = arith.constant 5.000000e-01 : f32
      %mul3A_289 = vector.broadcast %mul3A_288 : f32 to vector<16xf32>
      %mul3A_290 = arith.mulf %mul3A_289, %add3A_287 : vector<16xf32>
      %add3A_291 = arith.constant 8 : i32
      %add3A_292 = arith.addi %add3A_291, %scan3A_72 : i32
      %swap3A_293 = arith.index_cast %add3A_292 : i32 to index
      %swap3A_294 = arith.constant 128 : index
      %swap3A_295 = tpu.vector_load %arg10[%swap3A_293, %swap3A_294] {strides = array<i32>} : memref<16x256xf32, #tpu.memory_space<vmem>>, vector<1x16xf32>,
      %swap3A_296 = vector.shape_cast %swap3A_295 : vector<1x16xf32> to vector<16xf32>
      %swap3A_297 = vector.shape_cast %mul3A_290 : vector<16xf32> to vector<1x16xf32>
      tpu.vector_store %arg10[%swap3A_293, %swap3A_294], %swap3A_297 {strides = array<i32>} : memref<16x256xf32, #tpu.memory_space<vmem>>, vector<1x16xf32>,
      %mul3A_298 = arith.constant 2 : i32
      %mul3A_299 = arith.muli %mul3A_298, %scan3A_72 : i32
      %get3A_300 = arith.index_cast %mul3A_299 : i32 to index
      %get3A_301 = arith.constant 144 : index
      %get3A_302 = tpu.vector_load %arg9[%get3A_300, %get3A_301] {strides = array<i32>} : memref<16x256xf32, #tpu.memory_space<vmem>>, vector<1x16xf32>,
      %get3A_303 = vector.shape_cast %get3A_302 : vector<1x16xf32> to vector<16xf32>
      %mul3A_304 = arith.constant 2 : i32
      %mul3A_305 = arith.muli %mul3A_304, %scan3A_72 : i32
      %add3A_306 = arith.constant 1 : i32
      %add3A_307 = arith.addi %mul3A_305, %add3A_306 : i32
      %get3A_308 = arith.index_cast %add3A_307 : i32 to index
      %get3A_309 = arith.constant 144 : index
      %get3A_310 = tpu.vector_load %arg9[%get3A_308, %get3A_309] {strides = array<i32>} : memref<16x256xf32, #tpu.memory_space<vmem>>, vector<1x16xf32>,
      %get3A_311 = vector.shape_cast %get3A_310 : vector<1x16xf32> to vector<16xf32>
      %add3A_312 = arith.addf %get3A_303, %get3A_311 : vector<16xf32>
      %mul3A_313 = arith.constant 5.000000e-01 : f32
      %mul3A_314 = vector.broadcast %mul3A_313 : f32 to vector<16xf32>
      %mul3A_315 = arith.mulf %mul3A_314, %add3A_312 : vector<16xf32>
      %add3A_316 = arith.constant 8 : i32
      %add3A_317 = arith.addi %add3A_316, %scan3A_72 : i32
      %swap3A_318 = arith.index_cast %add3A_317 : i32 to index
      %swap3A_319 = arith.constant 144 : index
      %swap3A_320 = tpu.vector_load %arg10[%swap3A_318, %swap3A_319] {strides = array<i32>} : memref<16x256xf32, #tpu.memory_space<vmem>>, vector<1x16xf32>,
      %swap3A_321 = vector.shape_cast %swap3A_320 : vector<1x16xf32> to vector<16xf32>
      %swap3A_322 = vector.shape_cast %mul3A_315 : vector<16xf32> to vector<1x16xf32>
      tpu.vector_store %arg10[%swap3A_318, %swap3A_319], %swap3A_322 {strides = array<i32>} : memref<16x256xf32, #tpu.memory_space<vmem>>, vector<1x16xf32>,
      %mul3A_323 = arith.constant 2 : i32
      %mul3A_324 = arith.muli %mul3A_323, %scan3A_72 : i32
      %get3A_325 = arith.index_cast %mul3A_324 : i32 to index
      %get3A_326 = arith.constant 160 : index
      %get3A_327 = tpu.vector_load %arg9[%get3A_325, %get3A_326] {strides = array<i32>} : memref<16x256xf32, #tpu.memory_space<vmem>>, vector<1x16xf32>,
      %get3A_328 = vector.shape_cast %get3A_327 : vector<1x16xf32> to vector<16xf32>
      %mul3A_329 = arith.constant 2 : i32
      %mul3A_330 = arith.muli %mul3A_329, %scan3A_72 : i32
      %add3A_331 = arith.constant 1 : i32
      %add3A_332 = arith.addi %mul3A_330, %add3A_331 : i32
      %get3A_333 = arith.index_cast %add3A_332 : i32 to index
      %get3A_334 = arith.constant 160 : index
      %get3A_335 = tpu.vector_load %arg9[%get3A_333, %get3A_334] {strides = array<i32>} : memref<16x256xf32, #tpu.memory_space<vmem>>, vector<1x16xf32>,
      %get3A_336 = vector.shape_cast %get3A_335 : vector<1x16xf32> to vector<16xf32>
      %add3A_337 = arith.addf %get3A_328, %get3A_336 : vector<16xf32>
      %mul3A_338 = arith.constant 5.000000e-01 : f32
      %mul3A_339 = vector.broadcast %mul3A_338 : f32 to vector<16xf32>
      %mul3A_340 = arith.mulf %mul3A_339, %add3A_337 : vector<16xf32>
      %add3A_341 = arith.constant 8 : i32
      %add3A_342 = arith.addi %add3A_341, %scan3A_72 : i32
      %swap3A_343 = arith.index_cast %add3A_342 : i32 to index
      %swap3A_344 = arith.constant 160 : index
      %swap3A_345 = tpu.vector_load %arg10[%swap3A_343, %swap3A_344] {strides = array<i32>} : memref<16x256xf32, #tpu.memory_space<vmem>>, vector<1x16xf32>,
      %swap3A_346 = vector.shape_cast %swap3A_345 : vector<1x16xf32> to vector<16xf32>
      %swap3A_347 = vector.shape_cast %mul3A_340 : vector<16xf32> to vector<1x16xf32>
      tpu.vector_store %arg10[%swap3A_343, %swap3A_344], %swap3A_347 {strides = array<i32>} : memref<16x256xf32, #tpu.memory_space<vmem>>, vector<1x16xf32>,
      %mul3A_348 = arith.constant 2 : i32
      %mul3A_349 = arith.muli %mul3A_348, %scan3A_72 : i32
      %get3A_350 = arith.index_cast %mul3A_349 : i32 to index
      %get3A_351 = arith.constant 176 : index
      %get3A_352 = tpu.vector_load %arg9[%get3A_350, %get3A_351] {strides = array<i32>} : memref<16x256xf32, #tpu.memory_space<vmem>>, vector<1x16xf32>,
      %get3A_353 = vector.shape_cast %get3A_352 : vector<1x16xf32> to vector<16xf32>
      %mul3A_354 = arith.constant 2 : i32
      %mul3A_355 = arith.muli %mul3A_354, %scan3A_72 : i32
      %add3A_356 = arith.constant 1 : i32
      %add3A_357 = arith.addi %mul3A_355, %add3A_356 : i32
      %get3A_358 = arith.index_cast %add3A_357 : i32 to index
      %get3A_359 = arith.constant 176 : index
      %get3A_360 = tpu.vector_load %arg9[%get3A_358, %get3A_359] {strides = array<i32>} : memref<16x256xf32, #tpu.memory_space<vmem>>, vector<1x16xf32>,
      %get3A_361 = vector.shape_cast %get3A_360 : vector<1x16xf32> to vector<16xf32>
      %add3A_362 = arith.addf %get3A_353, %get3A_361 : vector<16xf32>
      %mul3A_363 = arith.constant 5.000000e-01 : f32
      %mul3A_364 = vector.broadcast %mul3A_363 : f32 to vector<16xf32>
      %mul3A_365 = arith.mulf %mul3A_364, %add3A_362 : vector<16xf32>
      %add3A_366 = arith.constant 8 : i32
      %add3A_367 = arith.addi %add3A_366, %scan3A_72 : i32
      %swap3A_368 = arith.index_cast %add3A_367 : i32 to index
      %swap3A_369 = arith.constant 176 : index
      %swap3A_370 = tpu.vector_load %arg10[%swap3A_368, %swap3A_369] {strides = array<i32>} : memref<16x256xf32, #tpu.memory_space<vmem>>, vector<1x16xf32>,
      %swap3A_371 = vector.shape_cast %swap3A_370 : vector<1x16xf32> to vector<16xf32>
      %swap3A_372 = vector.shape_cast %mul3A_365 : vector<16xf32> to vector<1x16xf32>
      tpu.vector_store %arg10[%swap3A_368, %swap3A_369], %swap3A_372 {strides = array<i32>} : memref<16x256xf32, #tpu.memory_space<vmem>>, vector<1x16xf32>,
      %mul3A_373 = arith.constant 2 : i32
      %mul3A_374 = arith.muli %mul3A_373, %scan3A_72 : i32
      %get3A_375 = arith.index_cast %mul3A_374 : i32 to index
      %get3A_376 = arith.constant 192 : index
      %get3A_377 = tpu.vector_load %arg9[%get3A_375, %get3A_376] {strides = array<i32>} : memref<16x256xf32, #tpu.memory_space<vmem>>, vector<1x16xf32>,
      %get3A_378 = vector.shape_cast %get3A_377 : vector<1x16xf32> to vector<16xf32>
      %mul3A_379 = arith.constant 2 : i32
      %mul3A_380 = arith.muli %mul3A_379, %scan3A_72 : i32
      %add3A_381 = arith.constant 1 : i32
      %add3A_382 = arith.addi %mul3A_380, %add3A_381 : i32
      %get3A_383 = arith.index_cast %add3A_382 : i32 to index
      %get3A_384 = arith.constant 192 : index
      %get3A_385 = tpu.vector_load %arg9[%get3A_383, %get3A_384] {strides = array<i32>} : memref<16x256xf32, #tpu.memory_space<vmem>>, vector<1x16xf32>,
      %get3A_386 = vector.shape_cast %get3A_385 : vector<1x16xf32> to vector<16xf32>
      %add3A_387 = arith.addf %get3A_378, %get3A_386 : vector<16xf32>
      %mul3A_388 = arith.constant 5.000000e-01 : f32
      %mul3A_389 = vector.broadcast %mul3A_388 : f32 to vector<16xf32>
      %mul3A_390 = arith.mulf %mul3A_389, %add3A_387 : vector<16xf32>
      %add3A_391 = arith.constant 8 : i32
      %add3A_392 = arith.addi %add3A_391, %scan3A_72 : i32
      %swap3A_393 = arith.index_cast %add3A_392 : i32 to index
      %swap3A_394 = arith.constant 192 : index
      %swap3A_395 = tpu.vector_load %arg10[%swap3A_393, %swap3A_394] {strides = array<i32>} : memref<16x256xf32, #tpu.memory_space<vmem>>, vector<1x16xf32>,
      %swap3A_396 = vector.shape_cast %swap3A_395 : vector<1x16xf32> to vector<16xf32>
      %swap3A_397 = vector.shape_cast %mul3A_390 : vector<16xf32> to vector<1x16xf32>
      tpu.vector_store %arg10[%swap3A_393, %swap3A_394], %swap3A_397 {strides = array<i32>} : memref<16x256xf32, #tpu.memory_space<vmem>>, vector<1x16xf32>,
      %mul3A_398 = arith.constant 2 : i32
      %mul3A_399 = arith.muli %mul3A_398, %scan3A_72 : i32
      %get3A_400 = arith.index_cast %mul3A_399 : i32 to index
      %get3A_401 = arith.constant 208 : index
      %get3A_402 = tpu.vector_load %arg9[%get3A_400, %get3A_401] {strides = array<i32>} : memref<16x256xf32, #tpu.memory_space<vmem>>, vector<1x16xf32>,
      %get3A_403 = vector.shape_cast %get3A_402 : vector<1x16xf32> to vector<16xf32>
      %mul3A_404 = arith.constant 2 : i32
      %mul3A_405 = arith.muli %mul3A_404, %scan3A_72 : i32
      %add3A_406 = arith.constant 1 : i32
      %add3A_407 = arith.addi %mul3A_405, %add3A_406 : i32
      %get3A_408 = arith.index_cast %add3A_407 : i32 to index
      %get3A_409 = arith.constant 208 : index
      %get3A_410 = tpu.vector_load %arg9[%get3A_408, %get3A_409] {strides = array<i32>} : memref<16x256xf32, #tpu.memory_space<vmem>>, vector<1x16xf32>,
      %get3A_411 = vector.shape_cast %get3A_410 : vector<1x16xf32> to vector<16xf32>
      %add3A_412 = arith.addf %get3A_403, %get3A_411 : vector<16xf32>
      %mul3A_413 = arith.constant 5.000000e-01 : f32
      %mul3A_414 = vector.broadcast %mul3A_413 : f32 to vector<16xf32>
      %mul3A_415 = arith.mulf %mul3A_414, %add3A_412 : vector<16xf32>
      %add3A_416 = arith.constant 8 : i32
      %add3A_417 = arith.addi %add3A_416, %scan3A_72 : i32
      %swap3A_418 = arith.index_cast %add3A_417 : i32 to index
      %swap3A_419 = arith.constant 208 : index
      %swap3A_420 = tpu.vector_load %arg10[%swap3A_418, %swap3A_419] {strides = array<i32>} : memref<16x256xf32, #tpu.memory_space<vmem>>, vector<1x16xf32>,
      %swap3A_421 = vector.shape_cast %swap3A_420 : vector<1x16xf32> to vector<16xf32>
      %swap3A_422 = vector.shape_cast %mul3A_415 : vector<16xf32> to vector<1x16xf32>
      tpu.vector_store %arg10[%swap3A_418, %swap3A_419], %swap3A_422 {strides = array<i32>} : memref<16x256xf32, #tpu.memory_space<vmem>>, vector<1x16xf32>,
      %mul3A_423 = arith.constant 2 : i32
      %mul3A_424 = arith.muli %mul3A_423, %scan3A_72 : i32
      %get3A_425 = arith.index_cast %mul3A_424 : i32 to index
      %get3A_426 = arith.constant 224 : index
      %get3A_427 = tpu.vector_load %arg9[%get3A_425, %get3A_426] {strides = array<i32>} : memref<16x256xf32, #tpu.memory_space<vmem>>, vector<1x16xf32>,
      %get3A_428 = vector.shape_cast %get3A_427 : vector<1x16xf32> to vector<16xf32>
      %mul3A_429 = arith.constant 2 : i32
      %mul3A_430 = arith.muli %mul3A_429, %scan3A_72 : i32
      %add3A_431 = arith.constant 1 : i32
      %add3A_432 = arith.addi %mul3A_430, %add3A_431 : i32
      %get3A_433 = arith.index_cast %add3A_432 : i32 to index
      %get3A_434 = arith.constant 224 : index
      %get3A_435 = tpu.vector_load %arg9[%get3A_433, %get3A_434] {strides = array<i32>} : memref<16x256xf32, #tpu.memory_space<vmem>>, vector<1x16xf32>,
      %get3A_436 = vector.shape_cast %get3A_435 : vector<1x16xf32> to vector<16xf32>
      %add3A_437 = arith.addf %get3A_428, %get3A_436 : vector<16xf32>
      %mul3A_438 = arith.constant 5.000000e-01 : f32
      %mul3A_439 = vector.broadcast %mul3A_438 : f32 to vector<16xf32>
      %mul3A_440 = arith.mulf %mul3A_439, %add3A_437 : vector<16xf32>
      %add3A_441 = arith.constant 8 : i32
      %add3A_442 = arith.addi %add3A_441, %scan3A_72 : i32
      %swap3A_443 = arith.index_cast %add3A_442 : i32 to index
      %swap3A_444 = arith.constant 224 : index
      %swap3A_445 = tpu.vector_load %arg10[%swap3A_443, %swap3A_444] {strides = array<i32>} : memref<16x256xf32, #tpu.memory_space<vmem>>, vector<1x16xf32>,
      %swap3A_446 = vector.shape_cast %swap3A_445 : vector<1x16xf32> to vector<16xf32>
      %swap3A_447 = vector.shape_cast %mul3A_440 : vector<16xf32> to vector<1x16xf32>
      tpu.vector_store %arg10[%swap3A_443, %swap3A_444], %swap3A_447 {strides = array<i32>} : memref<16x256xf32, #tpu.memory_space<vmem>>, vector<1x16xf32>,
      %mul3A_448 = arith.constant 2 : i32
      %mul3A_449 = arith.muli %mul3A_448, %scan3A_72 : i32
      %get3A_450 = arith.index_cast %mul3A_449 : i32 to index
      %get3A_451 = arith.constant 240 : index
      %get3A_452 = tpu.vector_load %arg9[%get3A_450, %get3A_451] {strides = array<i32>} : memref<16x256xf32, #tpu.memory_space<vmem>>, vector<1x16xf32>,
      %get3A_453 = vector.shape_cast %get3A_452 : vector<1x16xf32> to vector<16xf32>
      %mul3A_454 = arith.constant 2 : i32
      %mul3A_455 = arith.muli %mul3A_454, %scan3A_72 : i32
      %add3A_456 = arith.constant 1 : i32
      %add3A_457 = arith.addi %mul3A_455, %add3A_456 : i32
      %get3A_458 = arith.index_cast %add3A_457 : i32 to index
      %get3A_459 = arith.constant 240 : index
      %get3A_460 = tpu.vector_load %arg9[%get3A_458, %get3A_459] {strides = array<i32>} : memref<16x256xf32, #tpu.memory_space<vmem>>, vector<1x16xf32>,
      %get3A_461 = vector.shape_cast %get3A_460 : vector<1x16xf32> to vector<16xf32>
      %add3A_462 = arith.addf %get3A_453, %get3A_461 : vector<16xf32>
      %mul3A_463 = arith.constant 5.000000e-01 : f32
      %mul3A_464 = vector.broadcast %mul3A_463 : f32 to vector<16xf32>
      %mul3A_465 = arith.mulf %mul3A_464, %add3A_462 : vector<16xf32>
      %add3A_466 = arith.constant 8 : i32
      %add3A_467 = arith.addi %add3A_466, %scan3A_72 : i32
      %swap3A_468 = arith.index_cast %add3A_467 : i32 to index
      %swap3A_469 = arith.constant 240 : index
      %swap3A_470 = tpu.vector_load %arg10[%swap3A_468, %swap3A_469] {strides = array<i32>} : memref<16x256xf32, #tpu.memory_space<vmem>>, vector<1x16xf32>,
      %swap3A_471 = vector.shape_cast %swap3A_470 : vector<1x16xf32> to vector<16xf32>
      %swap3A_472 = vector.shape_cast %mul3A_465 : vector<16xf32> to vector<1x16xf32>
      tpu.vector_store %arg10[%swap3A_468, %swap3A_469], %swap3A_472 {strides = array<i32>} : memref<16x256xf32, #tpu.memory_space<vmem>>, vector<1x16xf32>,
    }
    %scan3A_59 = arith.constant 8 : i32
    %add3A_60 = arith.constant 462 : i32
    %add3A_61 = vector.broadcast %add3A_60 : i32 to vector<16xi32>
    %add3A_62 = arith.addi %add3A_5, %add3A_61 : vector<16xi32>
    %dma_start3A_63 = arith.constant 0 : i32
    %dma_start3A_64 = arith.constant 0 : i32
    %dma_start3A_65 = tpu.memref_slice %arg4[%dma_start3A_63, %dma_start3A_64] : memref<924x256xf32, #tpu.memory_space<hbm>> -> memref<924x256xf32, #tpu.memory_space<hbm>>
    tpu.enqueue_indirect_dma source(%arg10 : memref<16x256xf32, #tpu.memory_space<vmem>>) target(%dma_start3A_65 : memref<924x256xf32, #tpu.memory_space<hbm>>) offsets(%add3A_62 : vector<16xi32>) semaphore(%arg12 : memref<!tpu.dma_semaphore, #tpu.memory_space<semaphore_mem>>)
    %dma_wait3A_66 = arith.constant 0 : i32
    %dma_wait3A_67 = arith.constant 0 : i32
    %dma_wait3A_68 = tpu.memref_slice %arg4[%dma_wait3A_66, %dma_wait3A_67] : memref<924x256xf32, #tpu.memory_space<hbm>> -> memref<924x256xf32, #tpu.memory_space<hbm>>
    tpu.wait_indirect_dma semaphore(%arg14 : memref<!tpu.dma_semaphore, #tpu.memory_space<semaphore_mem>>) src(%arg11 : memref<16x256xf32, #tpu.memory_space<vmem>>) dst(%dma_wait3A_68 : memref<924x256xf32, #tpu.memory_space<hbm>>)
    %dma_wait3A_69 = arith.constant 0 : i32
    %dma_wait3A_70 = arith.constant 0 : i32
    %dma_wait3A_71 = tpu.memref_slice %arg4[%dma_wait3A_69, %dma_wait3A_70] : memref<924x256xf32, #tpu.memory_space<hbm>> -> memref<924x256xf32, #tpu.memory_space<hbm>>
    tpu.wait_indirect_dma semaphore(%arg12 : memref<!tpu.dma_semaphore, #tpu.memory_space<semaphore_mem>>) src(%arg10 : memref<16x256xf32, #tpu.memory_space<vmem>>) dst(%dma_wait3A_71 : memref<924x256xf32, #tpu.memory_space<hbm>>)
    return
  }
}

</mosaic_0001>

<sc_bundles>
// kernel: kernel.3.cloned.1.call-start
scs
__scs_entry_jumppad:
0x0: {  	(pc) =	sbr.rel $0x88, $3  }
0x1: {  	(tag) =	ssettag $0x0;
	lr =	simm.s32 $0x1  }
0x2: {  	[smem:$0x3F9F] =	sst lr;
	_ =	strace $0xD0000000  }
0x3: {  	_ = 	snop  }
0x4: {  	_ = 	snop  }
0x5: {  	_ = 	snop  }
0x6: {  	_ = 	snop  }
0x7: {  	_ = 	snop  }
__scs_overlays_trampoline_lowered:
0x8: {  	[smem:$0x3FAE] =	sst s0  }
0x9: {  	[smem:$0x3FAF] =	sst s1  }
0xa: {  	[smem:$0x3FB0] =	sst s2  }
0xb: {  	[smem:$0x3FB1] =	sst s3  }
0xc: {  	[smem:$0x3FB2] =	sst s4  }
0xd: {  	[smem:$0x3FB3] =	sst s5  }
0xe: {  	[smem:$0x3FB4] =	sst s6  }
0xf: {  	[smem:$0x3FB5] =	sst s7  }
0x10: {  	[smem:$0x3FB6] =	sst s8  }
0x11: {  	[smem:$0x3FB7] =	sst s9;
	s0 =	simm.s32 @!p0 $0x0  }
0x12: {  	s1 =	sld [smem:$0x3F9D];
	s0 =	simm.s32 @p0 $0x1  }
0x13: {  	[smem:$0x3FB8] =	sst s0;
	s0 =	simm.s32 @!p1 $0x0  }
0x14: {  	s2 =	sld [smem:$0x3F9C];
	s0 =	simm.s32 @p1 $0x1  }
0x15: {  	[smem:$0x3FB9] =	sst s0;
	s0 =	simm.s32 @!p2 $0x0  }
0x16: {  	s3 =	sld [smem:$0x3FDB];
	s0 =	simm.s32 @p2 $0x1  }
0x17: {  	s4 =	simm.s32 $0x1BF5;
	[smem:$0x3FBB] =	sst s0  }
0x18: {  	s0 =	sld [smem:$0x3F9E];
	_ =	swait.ge [sflag:s4], $0x0  }
0x19: {  	s7 =	sld [smem:$0x3F9F]  }
0x1a: {  	s8 =	sadd.s32 $0xFFFFE003, lr  }
0x1b: {  	s9 =	sadd.s32 $0xFFFFFEF7, lr;
	s5 =	simm.s32 $0xFFFFFFFF;
	p2 =	slt.u32 s8, $0xFFFFF086  }
0x1c: {  	p1 =	slt.u32 s9, $0xF7A;
	s5 =	simm.s32 @!p2 $0x0  }
0x1d: {  	s5 =	simm.s32 @p1 $0x1;
	p0 =	seq.s32 s7, s2  }
0x1e: {  	s7 =	smul.u32 @!p0 $0xF7A, s2;
	p2 =	seq.s32 @!p0 s5, $0x0  }
0x1f: {  	s9 =	smul.u32 $0xF7A, s1;
	s8 =	simm.s32 @!p0 $0x1BF5;
	p2 =	por !p2, p0  }
0x20: {  	[sflag:s8] =	ssyncset.s32 @!p0 $0xFFFFF086;
	s6 =	sadd.s32 @!p0 s3, s7;
	s7 =	simm.s32 @!p0 $0x108  }
0x21: {  	s3 =	sadd.s32 s3, s9;
	s6 =	sadd.s32 @!p0 $0x88, s6;
	s7 =	simm.s32 @p2 $0x1082  }
0x22: {  	[simem:s7], [sflag:s8] =	dma.local @!p0 [hbm:s6], $0xF7A  }
0x23: {  	s9 =	sor.u32 $0xD0000000, s2;
	s6 =	simm.s32 $0x108;
	_ =	swait.ge @!p0 [sflag:s8], $0x0  }
0x24: {  	s3 =	sadd.s32 $0x88, s3;
	s6 =	simm.s32 @!p1 $0x1082;
	[sflag:s4] =	ssyncset.s32 $0xFFFFF086  }
0x25: {  	[simem:s6], [sflag:s4] =	dma.local [hbm:s3], $0xF7A  }
0x26: {  	[smem:$0x3F9F] =	sst s1;
	(tag) =	ssettag s2;
	_ =	strace s9  }
0x27: {  	s1 =	sld [smem:$0x3FAF]  }
0x28: {  	s2 =	sld [smem:$0x3FB0]  }
0x29: {  	s4 =	sld [smem:$0x3FB2]  }
0x2a: {  	p0 =	seq.s32 s5, $0x0;
	s5 =	sld [smem:$0x3FB3]  }
0x2b: {  	s6 =	sld [smem:$0x3FB4]  }
0x2c: {  	s7 =	sld [smem:$0x3FB5]  }
0x2d: {  	s3 =	simm.s32 $0x108;
	s8 =	sld [smem:$0x3FB6]  }
0x2e: {  	s3 =	simm.s32 @!p0 $0x1082;
	s9 =	sld [smem:$0x3FB7]  }
0x2f: {  	lr =	sadd.s32 s0, s3;
	s0 =	sld [smem:$0x3FAE]  }
0x30: {  	s3 =	sld [smem:$0x3FB1]  }
0x31: {  	[smem:$0x3FBA] =	sst s10  }
0x32: {  	s10 =	sld [smem:$0x3FB8];
	_ =	sdelay $0x3  }
0x33: {  	p0 =	seq.s32 s10, $0x1;
	s10 =	sld [smem:$0x3FBA];
	_ =	sdelay $0x3  }
0x34: {  	[smem:$0x3FBA] =	sst s10  }
0x35: {  	s10 =	sld [smem:$0x3FB9];
	_ =	sdelay $0x3  }
0x36: {  	p1 =	seq.s32 s10, $0x1;
	s10 =	sld [smem:$0x3FBA];
	_ =	sdelay $0x3  }
0x37: {  	[smem:$0x3FBA] =	sst s10  }
0x38: {  	s10 =	sld [smem:$0x3FBB]  }
0x39: {  	_ = 	snop;
	(pc) =	sbr.ind lr, $3  }
0x3a: {  	_ = 	snop  }
0x3b: {  	_ = 	snop  }
0x3c: {  	p2 =	seq.s32 s10, $0x1;
	s10 =	sld [smem:$0x3FBA]  }
0x3d: {  	_ =	shalt  }
0x3e: {  	_ =	shalt  }
0x3f: {  	_ =	shalt  }
0x40: {  	_ =	shalt  }
0x41: {  	_ =	shalt  }
0x42: {  	_ =	shalt  }
0x43: {  	_ =	shalt  }
0x44: {  	_ =	shalt  }
0x45: {  	_ =	shalt  }
0x46: {  	_ =	shalt  }
0x47: {  	_ =	shalt  }
0x48: {  	_ =	shalt  }
0x49: {  	_ =	shalt  }
0x4a: {  	_ =	shalt  }
0x4b: {  	_ =	shalt  }
0x4c: {  	_ =	shalt  }
0x4d: {  	_ =	shalt  }
0x4e: {  	_ =	shalt  }
0x4f: {  	_ =	shalt  }
0x50: {  	_ =	shalt  }
0x51: {  	_ =	shalt  }
0x52: {  	_ =	shalt  }
0x53: {  	_ =	shalt  }
0x54: {  	_ =	shalt  }
0x55: {  	_ =	shalt  }
0x56: {  	_ =	shalt  }
0x57: {  	_ =	shalt  }
0x58: {  	_ =	shalt  }
0x59: {  	_ =	shalt  }
0x5a: {  	_ =	shalt  }
0x5b: {  	_ =	shalt  }
0x5c: {  	_ =	shalt  }
0x5d: {  	_ =	shalt  }
0x5e: {  	_ =	shalt  }
0x5f: {  	_ =	shalt  }
0x60: {  	_ =	shalt  }
0x61: {  	_ =	shalt  }
0x62: {  	_ =	shalt  }
0x63: {  	_ =	shalt  }
0x64: {  	_ =	shalt  }
0x65: {  	_ =	shalt  }
0x66: {  	_ =	shalt  }
0x67: {  	_ =	shalt  }
0x68: {  	_ =	shalt  }
0x69: {  	_ =	shalt  }
0x6a: {  	_ =	shalt  }
0x6b: {  	_ =	shalt  }
0x6c: {  	_ =	shalt  }
0x6d: {  	_ =	shalt  }
0x6e: {  	_ =	shalt  }
0x6f: {  	_ =	shalt  }
0x70: {  	_ =	shalt  }
0x71: {  	_ =	shalt  }
0x72: {  	_ =	shalt  }
0x73: {  	_ =	shalt  }
0x74: {  	_ =	shalt  }
0x75: {  	_ =	shalt  }
0x76: {  	_ =	shalt  }
0x77: {  	_ =	shalt  }
0x78: {  	_ =	shalt  }
0x79: {  	_ =	shalt  }
0x7a: {  	_ =	shalt  }
0x7b: {  	_ =	shalt  }
0x7c: {  	_ =	shalt  }
0x7d: {  	_ =	shalt  }
0x7e: {  	_ =	shalt  }
0x7f: {  	_ =	shalt  }
0x80: {  	_ =	shalt  }
0x81: {  	_ =	shalt  }
0x82: {  	_ =	shalt  }
0x83: {  	_ =	shalt  }
0x84: {  	_ =	shalt  }
0x85: {  	_ =	shalt  }
0x86: {  	_ =	shalt  }
0x87: {  	_ =	shalt  }
.Lfunc_end0:
.L_simem_size_0:
called_computation_lowered:
.L_overlay_start_0:
0x88: {  	s2 =	sld [smem:$0x3FD9]  }
0x89: {  	s3 =	sld [smem:$0x3FFE];
	_ =	sdelay $0x1  }
0x8a: {  	s1 =	srdreg.scid  }
0x8b: {  	s0 =	sand.u32 $0x1, s1  }
0x8c: {  	s17 =	sshll.u32 s0, $0xA;
	s2 =	sadd.s32 s3, s2  }
0x8d: {  	s2 =	sadd.s32 s2, s17  }
0x8e: {  	[smem:$0x3FC6] =	sst s2  }
0x8f: {  	_ = 	snop  }
0x90: {  	s2 =	sld [smem:$0x3FC9]  }
0x91: {  	s18 =	sld [smem:$0x3FD0];
	(tm) =	ssettm $0x1  }
0x92: {  	s4 =	sld [smem:$0x3FFB];
	_ =	sdelay $0x3  }
0x93: {  	_ =	strace s4  }
0x94: {  	s4 =	sld [smem:$0x3FFC];
	_ =	sdelay $0x3  }
0x95: {  	_ =	strace s4  }
0x96: {  	s4 =	sld [smem:$0x3FFD];
	_ =	sdelay $0x3  }
0x97: {  	_ =	strace s4  }
0x98: {  	_ =	strace $0x8FFFFFFF  }
0x99: {  	s19 =	sld [smem:$0x3FDB];
	_ =	sdelay $0x1  }
0x9a: {  	s5 =	simm.s32 $_scs_section_size  }
0x9b: {  	s6 =	simm.s32 $_size__tile_overlayer_lowered;
	s7 =	simm.s32 $_tile_overlayer_lowered  }
0x9c: {  	s22 =	simm.s32 $0x1BFF;
	s21 =	sshll.u32 s7, $0x1;
	s4 =	sadd.s32 s5, s19  }
0x9d: {  	s8 =	simm.s32 $0x0;
	s20 =	sshll.u32 s6, $0x1;
	s6 =	sadd.s32 s21, s4  }
0x9e: {  	[timem:s8], [sflag:s22] =	dma.local [hbm:s6], s20  }
0x9f: {  	_ =	swait.ge [sflag:s22], s20  }
0xa0: {  	s5 =	ssub.s32 $0x0, s20;
	[sflag:s22] =	ssyncset.done $0x0  }
0xa1: {  	[sflag:s22] =	ssyncadd.s32 s5;
	_ =	sdelay $0x1  }
0xa2: {  	s23 =	simm.s32 $0x1B8B  }
0xa3: {  	_ =	swait.ge [sflag:s23], $0x1  }
0xa4: {  	[sflag:s23] =	ssyncset.done $0x0  }
0xa5: {  	s25 =	simm.s32 $0x1B8E;
	s24 =	sld [smem:$0x3FFE];
	[sflag:s23] =	ssyncadd.s32 $0xFFFFFFFF  }
0xa6: {  	s26 =	simm.s32 $execute0_lowered;
	[smem:$0x3FD2] =	sst s25  }
0xa7: {  	s6 =	sshll.u32 s26, $0x1;
	_ =	strace $0x80000046;
	[dreg:$0x1] =	wrdreg $0xFFFFFFFF  }
0xa8: {  	s28 =	simm.s32 $_size_execute0_lowered;
	s4 =	sadd.s32 s4, s6;
	[dreg:$0x0] =	wrdreg $0x0  }
0xa9: {  	s6 =	sshll.u32 s28, $0x1;
	[dreg:$0x2] =	wrdreg s4  }
0xaa: {  	[dreg:$0x3] =	wrdreg s6  }
0xab: {  	[dreg:$0x4] =	wrdreg $0xC0  }
0xac: {  	_ =	task [dreg:s8], $0x5FFFF  }
0xad: {  	[dreg:$0x1] =	wrdreg $0xFFFFFFFF  }
0xae: {  	[dreg:$0x0] =	wrdreg $0x60  }
0xaf: {  	[dreg:$0x2] =	wrdreg s2  }
0xb0: {  	[dreg:$0x3] =	wrdreg s24  }
0xb1: {  	[dreg:$0x4] =	wrdreg s18  }
0xb2: {  	[dreg:$0x5] =	wrdreg $0x9  }
0xb3: {  	_ =	task.clear_ibuf [dreg:s8], $0x6FFFF;
	_ =	strace $0x90000046  }
0xb4: {  	s29 =	simm.s32 $0x9;
	_ =	strace $0x80000048  }
0xb5: {  	_ =	swait.ge [sflag:s29], $0x1  }
0xb6: {  	[sflag:s29] =	ssyncadd.s32 $0xFFFFFFFF  }
0xb7: {  	_ =	strace $0x90000048  }
0xb8: {  	_ =	sfence  }
0xb9: {  	s30 =	sld [smem:$0x0];
	_ =	sdelay $0x2  }
0xba: {  	s31 =	sshll.u32 s1, $0xD;
	s1 =	sshrl.u32 s1, $0x2  }
0xbb: {  	s3 =	sand.u32 $0x4000, s31;
	s1 =	sadd.s32 s1, s30  }
0xbc: {  	s0 =	sor.u32 s3, s0;
	s1 =	sshll.u32 s1, $0x11  }
0xbd: {  	s0 =	sor.u32 s1, s0  }
0xbe: {  	s0 =	sadd.s32 $0x8F2B, s0  }
0xbf: {  	[sflag:s0] =	ssyncadd.remote.s32 $0x1  }
0xc0: {  	_ =	sfence.sel $0xFFFF  }
0xc1: {  	[dreg:$0x0] =	wrdreg $0xFFFFFFFF;
	(pc) =	sbr.abs _section_cstart, $3  }
0xc2: {  	[dreg:$0x1] =	wrdreg $0xFFFFFFFF  }
0xc3: {  	_ =	task.clear_ibuf [dreg:s8], $0x2FFFF;
	_ =	strace $0x9FFFFFFF  }
0xc4: {  	(tm) =	ssettm $0x7FFFFFFF  }
0xc5: {  	_ =	shalt  }
tec
execute0_lowered:
.L_overlay_start_1:
0x0: {  	(tag) =	ssettag $0x1  }
0x1: {  	s1 =	srdreg.scid;
	s0 =	stileid.u32  }
0x2: {  	s5 =	sand.u32 $0x1, s1;
	s29 =	sshll.u32 s0, $0x1  }
0x3: {  	s6 =	sor.u32 s5, s29  }
0x4: {  	s2 =	sshll.u32 s6, $0x4  }
0x5: {  	s7 =	rddreg [dreg:$0x1];
	v1 =	vlaneseq.u32;
	s8 =	smin.u32 s2, $0x1BE  }
0x6: {  	s3 =	rddreg [dreg:$0x2];
	s4 =	simm.s32 $0x0;
	v0 =	vadd.s32 s8, v1  }
0x7: {  	s11 =	simm.s32 $0x180;
	s12 =	simm.s32 $0x980;
	s13 =	simm.s32 $0x1180;
	v2 =	vshll.u32 v0, $0x1  }
0x8: {  	s14 =	simm.s32 $0x1980;
	s15 =	simm.s32 $0x3;
	s16 =	simm.s32 $0x1;
	v3 =	vadd.s32 $0x1CE, v1;
	v0 =	vand.u32 $0x7, v0;
	v2 =	vand.u32 $0x7F0, v2  }
0x9: {  	s17 =	simm.s32 $0x2180;
	s18 =	simm.s32 $0x2980;
	s1 =	rddreg [dreg:$0x0];
	v5 =	vshrl.u32 v1, $0x3;
	v4 =	vor.u32 v0, v2;
	v2 =	vadd.s32 s8, v3  }
0xa: {  	s19 =	simm.s32 $0x0;
	[smem:$0x7FF] =	sst s4;
	s5 =	ssub.s32 $0x2, s5;
	v0 =	vand.u32 $0x7, v1;
	v1 =	vor.u32 $0x8, v1;
	v6 =	vshll.u32 v2, $0x1  }
0xb: {  	s6 =	sshll.u32 s6, $0x5;
	s10 =	sshrl.u32 s5, $0x1;
	s2 =	rddreg [dreg:$0x3];
	v3 =	vperm.xlane v4, v0;
	v7 =	vand.u32 $0x7, v2;
	v6 =	vand.u32 $0x7F0, v6  }
0xc: {  	s6 =	smin.u32 s6, $0x378;
	_ =	strace $0x80000047;
	s30 =	ssub.s32 s5, s10;
	v2 =	vmul.u32 $0x8, v5;
	v4 =	vperm.xlane v4, v1;
	v5 =	vor.u32 v7, v6  }
0xd: {  	s10 =	simm.s32 $0x2;
	s9 =	sshrl.u32 s6, $0x3;
	s31 =	sshll.u32 s8, $0x1;
	v6 =	vperm.xlane v5, v0;
	v7 =	vperm.xlane v5, v1  }
0xe: {  	vm0 =	vmmov $0xffff;
	s7 =	sadd.s32 s9, s7;
	s5 =	ssub.s32 s31, s6;
	s9 =	simm.s32 $0x3980;
	v3 =	vadd.s32 v2, v3  }
0xf: {  	s6 =	sadd.s32 $0x400, s7;
	s7 =	smax.u32 s30, $0x1;
	s8 =	simm.s32 $0x3180;
	v4 =	vadd.s32 v2, v4;
	v5 =	vadd.s32 v2, v6;
	v6 =	vadd.s32 v2, v7  }
.LBB2_1:
0x10: {  	_ =	sdelay $0x1  }
0x11: {  	[tilespmem:s4], [sflag:$0x2] =	stream.linear.gather [hbm4b:s6+s4], $0x24, $0x38;
	[tilespmem:$0x4180] =	vst v63  }
0x12: {  	_ = 	snop  }
0x13: {  	[tilespmem:s8], [sflag:$0x3] =	stream.indirect_vreg.gather [hbm4b:s1+s4], $0x80, v3, vm0, $0xb8;
	[tilespmem:$0x4180] =	vst v63  }
0x14: {  	_ = 	snop  }
0x15: {  	[tilespmem:s9], [sflag:$0x3] =	stream.indirect_vreg.gather [hbm4b:s1+s4], $0x80, v4, vm0, $0xb8;
	[tilespmem:$0x4180] =	vst v63  }
0x16: {  	_ =	swait.ge [sflag:s10], $0x24  }
0x17: {  	[sflag:s10] =	ssyncset.done $0x0  }
0x18: {  	[sflag:s10] =	ssyncadd.s32 $0xFFFFFFDC  }
0x19: {  	v7 =	vld [tilespmem:s5+$0x0];
	_ =	sdelay $0x4  }
0x1a: {  	[tilespmem:$0x80] =	vst v7  }
0x1b: {  	v7 =	vld [tilespmem:$0x80];
	_ =	sdelay $0x4  }
0x1c: {  	v8 =	vshll.u32 v7, $0x1  }
0x1d: {  	v7 =	vand.u32 $0x7, v7;
	v8 =	vand.u32 $0xFFFFFFF0, v8  }
0x1e: {  	v7 =	vor.u32 v7, v8  }
0x1f: {  	v8 =	vperm.xlane v7, v0  }
0x20: {  	v9 =	vld [tilespmem:s5+$0x10]  }
0x21: {  	v7 =	vperm.xlane v7, v1;
	v8 =	vadd.s32 v2, v8;
	_ =	sdelay $0x1  }
0x22: {  	v7 =	vadd.s32 v2, v7;
	_ =	sdelay $0x1  }
0x23: {  	[tilespmem:$0x100] =	vst v9  }
0x24: {  	[tilespmem:s11], [sflag:$0x1] =	stream.indirect_vreg.gather [hbm4b:s1+s4], $0x80, v8, vm0, $0xb8;
	[tilespmem:$0x4180] =	vst v63  }
0x25: {  	_ = 	snop  }
0x26: {  	[tilespmem:s12], [sflag:$0x1] =	stream.indirect_vreg.gather [hbm4b:s1+s4], $0x80, v7, vm0, $0xb8;
	[tilespmem:$0x4180] =	vst v63  }
0x27: {  	v7 =	vld [tilespmem:$0x100];
	_ =	sdelay $0x4  }
0x28: {  	v8 =	vshll.u32 v7, $0x1  }
0x29: {  	v7 =	vand.u32 $0x7, v7;
	v8 =	vand.u32 $0xFFFFFFF0, v8  }
0x2a: {  	v7 =	vor.u32 v7, v8  }
0x2b: {  	v8 =	vperm.xlane v7, v0;
	_ =	sdelay $0x1  }
0x2c: {  	v7 =	vperm.xlane v7, v1;
	v8 =	vadd.s32 v2, v8;
	_ =	sdelay $0x1  }
0x2d: {  	v7 =	vadd.s32 v2, v7;
	_ =	sdelay $0x2  }
0x2e: {  	[tilespmem:s13], [sflag:$0x2] =	stream.indirect_vreg.gather [hbm4b:s1+s4], $0x80, v8, vm0, $0xb8;
	[tilespmem:$0x4180] =	vst v63  }
0x2f: {  	_ = 	snop  }
0x30: {  	[tilespmem:s14], [sflag:$0x2] =	stream.indirect_vreg.gather [hbm4b:s1+s4], $0x80, v7, vm0, $0xb8;
	[tilespmem:$0x4180] =	vst v63  }
0x31: {  	_ =	swait.ge [sflag:s15], $0x1000  }
0x32: {  	[sflag:s15] =	ssyncset.done $0x0  }
0x33: {  	[sflag:s15] =	ssyncadd.s32 $0xFFFFF000  }
0x34: {  	[hbm4b:s3+s4] =	stream.indirect_vreg.scatter [tilespmem:s8], [sflag:$0x3], $0x80, v3, vm0, $0xb8;
	[tilespmem:$0x4180] =	vst v63  }
0x35: {  	_ = 	snop  }
0x36: {  	[hbm4b:s3+s4] =	stream.indirect_vreg.scatter [tilespmem:s9], [sflag:$0x3], $0x80, v4, vm0, $0xb8;
	[tilespmem:$0x4180] =	vst v63  }
0x37: {  	_ =	swait.ge [sflag:s16], $0x1000  }
0x38: {  	s20 =	sand.u32 $0x800, s4;
	s21 =	sand.u32 $0x300, s4;
	[sflag:s16] =	ssyncset.done $0x0  }
0x39: {  	s20 =	sor.u32 s21, s20;
	[sflag:s16] =	ssyncadd.s32 $0xFFFFF000  }
0x3a: {  	v7 =	vld [tilespmem:s20+$0x180]  }
0x3b: {  	v8 =	vld [tilespmem:s20+$0x200];
	_ =	sdelay $0x4  }
0x3c: {  	v7 =	vadd.f32 v8, v7;
	_ =	sdelay $0x1  }
0x3d: {  	v7 =	vmul.f32 $5.000000000e-01, v7  }
0x3e: {  	s21 =	simm.s32 $0x0  }
0x3f: {  	[tilespmem:s21+$0x2180] =	vst v7  }
0x40: {  	v7 =	vld [tilespmem:s20+$0x190]  }
0x41: {  	v8 =	vld [tilespmem:s20+$0x210];
	_ =	sdelay $0x4  }
0x42: {  	v7 =	vadd.f32 v8, v7;
	_ =	sdelay $0x1  }
0x43: {  	v7 =	vmul.f32 $5.000000000e-01, v7;
	_ =	sdelay $0x1  }
0x44: {  	[tilespmem:s21+$0x2190] =	vst v7  }
0x45: {  	v7 =	vld [tilespmem:s20+$0x1A0]  }
0x46: {  	v8 =	vld [tilespmem:s20+$0x220];
	_ =	sdelay $0x4  }
0x47: {  	v7 =	vadd.f32 v8, v7;
	_ =	sdelay $0x1  }
0x48: {  	v7 =	vmul.f32 $5.000000000e-01, v7;
	_ =	sdelay $0x1  }
0x49: {  	[tilespmem:s21+$0x21A0] =	vst v7  }
0x4a: {  	v7 =	vld [tilespmem:s20+$0x1B0]  }
0x4b: {  	v8 =	vld [tilespmem:s20+$0x230];
	_ =	sdelay $0x4  }
0x4c: {  	v7 =	vadd.f32 v8, v7;
	_ =	sdelay $0x1  }
0x4d: {  	v7 =	vmul.f32 $5.000000000e-01, v7;
	_ =	sdelay $0x1  }
0x4e: {  	[tilespmem:s21+$0x21B0] =	vst v7  }
0x4f: {  	v7 =	vld [tilespmem:s20+$0x1C0]  }
0x50: {  	v8 =	vld [tilespmem:s20+$0x240];
	_ =	sdelay $0x4  }
0x51: {  	v7 =	vadd.f32 v8, v7;
	_ =	sdelay $0x1  }
0x52: {  	v7 =	vmul.f32 $5.000000000e-01, v7;
	_ =	sdelay $0x1  }
0x53: {  	[tilespmem:s21+$0x21C0] =	vst v7  }
0x54: {  	v7 =	vld [tilespmem:s20+$0x1D0]  }
0x55: {  	v8 =	vld [tilespmem:s20+$0x250];
	_ =	sdelay $0x4  }
0x56: {  	v7 =	vadd.f32 v8, v7;
	_ =	sdelay $0x1  }
0x57: {  	v7 =	vmul.f32 $5.000000000e-01, v7;
	_ =	sdelay $0x1  }
0x58: {  	[tilespmem:s21+$0x21D0] =	vst v7  }
0x59: {  	v7 =	vld [tilespmem:s20+$0x1E0]  }
0x5a: {  	v8 =	vld [tilespmem:s20+$0x260];
	_ =	sdelay $0x4  }
0x5b: {  	v7 =	vadd.f32 v8, v7;
	_ =	sdelay $0x1  }
0x5c: {  	v7 =	vmul.f32 $5.000000000e-01, v7;
	_ =	sdelay $0x1  }
0x5d: {  	[tilespmem:s21+$0x21E0] =	vst v7  }
0x5e: {  	v7 =	vld [tilespmem:s20+$0x1F0]  }
0x5f: {  	v8 =	vld [tilespmem:s20+$0x270];
	_ =	sdelay $0x4  }
0x60: {  	v7 =	vadd.f32 v8, v7;
	_ =	sdelay $0x1  }
0x61: {  	v7 =	vmul.f32 $5.000000000e-01, v7;
	_ =	sdelay $0x1  }
0x62: {  	[tilespmem:s21+$0x21F0] =	vst v7  }
0x63: {  	v7 =	vld [tilespmem:s20+$0x580]  }
0x64: {  	v8 =	vld [tilespmem:s20+$0x600];
	_ =	sdelay $0x4  }
0x65: {  	v7 =	vadd.f32 v8, v7;
	_ =	sdelay $0x1  }
0x66: {  	v7 =	vmul.f32 $5.000000000e-01, v7;
	_ =	sdelay $0x1  }
0x67: {  	[tilespmem:s21+$0x2580] =	vst v7  }
0x68: {  	v7 =	vld [tilespmem:s20+$0x590]  }
0x69: {  	v8 =	vld [tilespmem:s20+$0x610];
	_ =	sdelay $0x4  }
0x6a: {  	v7 =	vadd.f32 v8, v7;
	_ =	sdelay $0x1  }
0x6b: {  	v7 =	vmul.f32 $5.000000000e-01, v7;
	_ =	sdelay $0x1  }
0x6c: {  	[tilespmem:s21+$0x2590] =	vst v7  }
0x6d: {  	v7 =	vld [tilespmem:s20+$0x5A0]  }
0x6e: {  	v8 =	vld [tilespmem:s20+$0x620];
	_ =	sdelay $0x4  }
0x6f: {  	v7 =	vadd.f32 v8, v7;
	_ =	sdelay $0x1  }
0x70: {  	v7 =	vmul.f32 $5.000000000e-01, v7;
	_ =	sdelay $0x1  }
0x71: {  	[tilespmem:s21+$0x25A0] =	vst v7  }
0x72: {  	v7 =	vld [tilespmem:s20+$0x5B0]  }
0x73: {  	v8 =	vld [tilespmem:s20+$0x630];
	_ =	sdelay $0x4  }
0x74: {  	v7 =	vadd.f32 v8, v7;
	_ =	sdelay $0x1  }
0x75: {  	v7 =	vmul.f32 $5.000000000e-01, v7;
	_ =	sdelay $0x1  }
0x76: {  	[tilespmem:s21+$0x25B0] =	vst v7  }
0x77: {  	v7 =	vld [tilespmem:s20+$0x5C0]  }
0x78: {  	v8 =	vld [tilespmem:s20+$0x640];
	_ =	sdelay $0x4  }
0x79: {  	v7 =	vadd.f32 v8, v7;
	_ =	sdelay $0x1  }
0x7a: {  	v7 =	vmul.f32 $5.000000000e-01, v7;
	_ =	sdelay $0x1  }
0x7b: {  	[tilespmem:s21+$0x25C0] =	vst v7  }
0x7c: {  	v7 =	vld [tilespmem:s20+$0x5D0]  }
0x7d: {  	v8 =	vld [tilespmem:s20+$0x650];
	_ =	sdelay $0x4  }
0x7e: {  	v7 =	vadd.f32 v8, v7;
	_ =	sdelay $0x1  }
0x7f: {  	v7 =	vmul.f32 $5.000000000e-01, v7;
	_ =	sdelay $0x1  }
0x80: {  	[tilespmem:s21+$0x25D0] =	vst v7  }
0x81: {  	v7 =	vld [tilespmem:s20+$0x5E0]  }
0x82: {  	s22 =	simm.s32 $0x100;
	s23 =	simm.s32 $0x0;
	v8 =	vld [tilespmem:s20+$0x660]  }
.LBB2_2:
0x83: {  	_ =	sdelay $0x1  }
0x84: {  	p0 =	sne.s32 s22, $0x700  }
0x85: {  	s23 =	sadd.s32 $0x200, s23;
	s24 =	smov.u32 s22;
	s22 =	sadd.s32 $0x100, s22  }
0x86: {  	v7 =	vadd.f32 v8, v7;
	_ =	sdelay $0x1  }
0x87: {  	v7 =	vmul.f32 $5.000000000e-01, v7;
	_ =	sdelay $0x1  }
0x88: {  	[tilespmem:s21+$0x25E0] =	vst v7  }
0x89: {  	v7 =	vld [tilespmem:s20+$0x5F0]  }
0x8a: {  	v8 =	vld [tilespmem:s20+$0x670];
	_ =	sdelay $0x4  }
0x8b: {  	v7 =	vadd.f32 v8, v7;
	_ =	sdelay $0x1  }
0x8c: {  	v7 =	vmul.f32 $5.000000000e-01, v7  }
0x8d: {  	s24 =	sand.u32 $0x300, s24;
	s20 =	sand.u32 $0x800, s23  }
0x8e: {  	s20 =	sor.u32 s24, s20;
	[tilespmem:s21+$0x25F0] =	vst v7  }
0x8f: {  	v7 =	vld [tilespmem:s20+$0x180]  }
0x90: {  	v8 =	vld [tilespmem:s20+$0x200];
	_ =	sdelay $0x4  }
0x91: {  	v7 =	vadd.f32 v8, v7;
	_ =	sdelay $0x1  }
0x92: {  	s21 =	sshra.s32 s23, $0x2;
	v7 =	vmul.f32 $5.000000000e-01, v7;
	_ =	sdelay $0x1  }
0x93: {  	[tilespmem:s21+$0x2180] =	vst v7  }
0x94: {  	v7 =	vld [tilespmem:s20+$0x190]  }
0x95: {  	v8 =	vld [tilespmem:s20+$0x210];
	_ =	sdelay $0x4  }
0x96: {  	v7 =	vadd.f32 v8, v7;
	_ =	sdelay $0x1  }
0x97: {  	v7 =	vmul.f32 $5.000000000e-01, v7;
	_ =	sdelay $0x1  }
0x98: {  	[tilespmem:s21+$0x2190] =	vst v7  }
0x99: {  	v7 =	vld [tilespmem:s20+$0x1A0]  }
0x9a: {  	v8 =	vld [tilespmem:s20+$0x220];
	_ =	sdelay $0x4  }
0x9b: {  	v7 =	vadd.f32 v8, v7;
	_ =	sdelay $0x1  }
0x9c: {  	v7 =	vmul.f32 $5.000000000e-01, v7;
	_ =	sdelay $0x1  }
0x9d: {  	[tilespmem:s21+$0x21A0] =	vst v7  }
0x9e: {  	v7 =	vld [tilespmem:s20+$0x1B0]  }
0x9f: {  	v8 =	vld [tilespmem:s20+$0x230];
	_ =	sdelay $0x4  }
0xa0: {  	v7 =	vadd.f32 v8, v7;
	_ =	sdelay $0x1  }
0xa1: {  	v7 =	vmul.f32 $5.000000000e-01, v7;
	_ =	sdelay $0x1  }
0xa2: {  	[tilespmem:s21+$0x21B0] =	vst v7  }
0xa3: {  	v7 =	vld [tilespmem:s20+$0x1C0]  }
0xa4: {  	v8 =	vld [tilespmem:s20+$0x240];
	_ =	sdelay $0x4  }
0xa5: {  	v7 =	vadd.f32 v8, v7;
	_ =	sdelay $0x1  }
0xa6: {  	v7 =	vmul.f32 $5.000000000e-01, v7;
	_ =	sdelay $0x1  }
0xa7: {  	[tilespmem:s21+$0x21C0] =	vst v7  }
0xa8: {  	v7 =	vld [tilespmem:s20+$0x1D0]  }
0xa9: {  	v8 =	vld [tilespmem:s20+$0x250];
	_ =	sdelay $0x4  }
0xaa: {  	v7 =	vadd.f32 v8, v7;
	_ =	sdelay $0x1  }
0xab: {  	v7 =	vmul.f32 $5.000000000e-01, v7;
	_ =	sdelay $0x1  }
0xac: {  	[tilespmem:s21+$0x21D0] =	vst v7  }
0xad: {  	v7 =	vld [tilespmem:s20+$0x1E0]  }
0xae: {  	v8 =	vld [tilespmem:s20+$0x260];
	_ =	sdelay $0x4  }
0xaf: {  	v7 =	vadd.f32 v8, v7;
	_ =	sdelay $0x1  }
0xb0: {  	v7 =	vmul.f32 $5.000000000e-01, v7;
	_ =	sdelay $0x1  }
0xb1: {  	[tilespmem:s21+$0x21E0] =	vst v7  }
0xb2: {  	v7 =	vld [tilespmem:s20+$0x1F0]  }
0xb3: {  	v8 =	vld [tilespmem:s20+$0x270];
	_ =	sdelay $0x4  }
0xb4: {  	v7 =	vadd.f32 v8, v7;
	_ =	sdelay $0x1  }
0xb5: {  	v7 =	vmul.f32 $5.000000000e-01, v7;
	_ =	sdelay $0x1  }
0xb6: {  	[tilespmem:s21+$0x21F0] =	vst v7  }
0xb7: {  	v7 =	vld [tilespmem:s20+$0x580]  }
0xb8: {  	v8 =	vld [tilespmem:s20+$0x600];
	_ =	sdelay $0x4  }
0xb9: {  	v7 =	vadd.f32 v8, v7;
	_ =	sdelay $0x1  }
0xba: {  	v7 =	vmul.f32 $5.000000000e-01, v7;
	_ =	sdelay $0x1  }
0xbb: {  	[tilespmem:s21+$0x2580] =	vst v7  }
0xbc: {  	v7 =	vld [tilespmem:s20+$0x590]  }
0xbd: {  	v8 =	vld [tilespmem:s20+$0x610];
	_ =	sdelay $0x4  }
0xbe: {  	v7 =	vadd.f32 v8, v7;
	_ =	sdelay $0x1  }
0xbf: {  	v7 =	vmul.f32 $5.000000000e-01, v7;
	_ =	sdelay $0x1  }
0xc0: {  	[tilespmem:s21+$0x2590] =	vst v7  }
0xc1: {  	v7 =	vld [tilespmem:s20+$0x5A0]  }
0xc2: {  	v8 =	vld [tilespmem:s20+$0x620];
	_ =	sdelay $0x4  }
0xc3: {  	v7 =	vadd.f32 v8, v7;
	_ =	sdelay $0x1  }
0xc4: {  	v7 =	vmul.f32 $5.000000000e-01, v7;
	_ =	sdelay $0x1  }
0xc5: {  	[tilespmem:s21+$0x25A0] =	vst v7  }
0xc6: {  	v7 =	vld [tilespmem:s20+$0x5B0]  }
0xc7: {  	v8 =	vld [tilespmem:s20+$0x630];
	_ =	sdelay $0x4  }
0xc8: {  	v7 =	vadd.f32 v8, v7;
	_ =	sdelay $0x1  }
0xc9: {  	v7 =	vmul.f32 $5.000000000e-01, v7;
	_ =	sdelay $0x1  }
0xca: {  	[tilespmem:s21+$0x25B0] =	vst v7  }
0xcb: {  	v7 =	vld [tilespmem:s20+$0x5C0]  }
0xcc: {  	v8 =	vld [tilespmem:s20+$0x640];
	_ =	sdelay $0x4  }
0xcd: {  	v7 =	vadd.f32 v8, v7;
	_ =	sdelay $0x1  }
0xce: {  	v7 =	vmul.f32 $5.000000000e-01, v7;
	_ =	sdelay $0x1  }
0xcf: {  	[tilespmem:s21+$0x25C0] =	vst v7  }
0xd0: {  	v7 =	vld [tilespmem:s20+$0x5D0]  }
0xd1: {  	v8 =	vld [tilespmem:s20+$0x650];
	_ =	sdelay $0x4  }
0xd2: {  	v7 =	vadd.f32 v8, v7;
	_ =	sdelay $0x1  }
.Ltmp0:
0xd3: {  	v7 =	vmul.f32 $5.000000000e-01, v7;
	(pc) =	sbr.rel @p0 .LBB2_2-.Ltmp0, $4  }
0xd4: {  	_ = 	snop  }
0xd5: {  	[tilespmem:s21+$0x25D0] =	vst v7  }
0xd6: {  	v7 =	vld [tilespmem:s20+$0x5E0]  }
0xd7: {  	v8 =	vld [tilespmem:s20+$0x660]  }
0xd8: {  	_ =	sdelay $0x3  }
0xd9: {  	v7 =	vadd.f32 v8, v7;
	_ =	sdelay $0x1  }
0xda: {  	v7 =	vmul.f32 $5.000000000e-01, v7;
	_ =	sdelay $0x1  }
0xdb: {  	[tilespmem:s21+$0x25E0] =	vst v7  }
0xdc: {  	v7 =	vld [tilespmem:s20+$0x5F0]  }
0xdd: {  	v8 =	vld [tilespmem:s20+$0x670];
	_ =	sdelay $0x4  }
0xde: {  	v7 =	vadd.f32 v8, v7;
	_ =	sdelay $0x1  }
0xdf: {  	v7 =	vmul.f32 $5.000000000e-01, v7;
	_ =	sdelay $0x1  }
0xe0: {  	[tilespmem:s21+$0x25F0] =	vst v7  }
0xe1: {  	s20 =	simm.s32 $0x0;
	_ =	swait.ge [sflag:s10], $0x1000  }
0xe2: {  	s31 =	sand.u32 $0x800, s20;
	s22 =	sand.u32 $0x300, s20;
	[sflag:s10] =	ssyncset.done $0x0  }
0xe3: {  	s21 =	sor.u32 s22, s31;
	[sflag:s10] =	ssyncadd.s32 $0xFFFFF000  }
0xe4: {  	v7 =	vld [tilespmem:s21+$0x1180]  }
0xe5: {  	v8 =	vld [tilespmem:s21+$0x1200];
	_ =	sdelay $0x4  }
0xe6: {  	v7 =	vadd.f32 v8, v7;
	_ =	sdelay $0x1  }
0xe7: {  	v7 =	vmul.f32 $5.000000000e-01, v7  }
0xe8: {  	s22 =	simm.s32 $0x0  }
0xe9: {  	[tilespmem:s22+$0x2980] =	vst v7  }
0xea: {  	v7 =	vld [tilespmem:s21+$0x1190]  }
0xeb: {  	v8 =	vld [tilespmem:s21+$0x1210];
	_ =	sdelay $0x4  }
0xec: {  	v7 =	vadd.f32 v8, v7;
	_ =	sdelay $0x1  }
0xed: {  	v7 =	vmul.f32 $5.000000000e-01, v7;
	_ =	sdelay $0x1  }
0xee: {  	[tilespmem:s22+$0x2990] =	vst v7  }
0xef: {  	v7 =	vld [tilespmem:s21+$0x11A0]  }
0xf0: {  	v8 =	vld [tilespmem:s21+$0x1220];
	_ =	sdelay $0x4  }
0xf1: {  	v7 =	vadd.f32 v8, v7;
	_ =	sdelay $0x1  }
0xf2: {  	v7 =	vmul.f32 $5.000000000e-01, v7;
	_ =	sdelay $0x1  }
0xf3: {  	[tilespmem:s22+$0x29A0] =	vst v7  }
0xf4: {  	v7 =	vld [tilespmem:s21+$0x11B0]  }
0xf5: {  	v8 =	vld [tilespmem:s21+$0x1230];
	_ =	sdelay $0x4  }
0xf6: {  	v7 =	vadd.f32 v8, v7;
	_ =	sdelay $0x1  }
0xf7: {  	v7 =	vmul.f32 $5.000000000e-01, v7;
	_ =	sdelay $0x1  }
0xf8: {  	[tilespmem:s22+$0x29B0] =	vst v7  }
0xf9: {  	v7 =	vld [tilespmem:s21+$0x11C0]  }
0xfa: {  	v8 =	vld [tilespmem:s21+$0x1240];
	_ =	sdelay $0x4  }
0xfb: {  	v7 =	vadd.f32 v8, v7;
	_ =	sdelay $0x1  }
0xfc: {  	v7 =	vmul.f32 $5.000000000e-01, v7;
	_ =	sdelay $0x1  }
0xfd: {  	[tilespmem:s22+$0x29C0] =	vst v7  }
0xfe: {  	v7 =	vld [tilespmem:s21+$0x11D0]  }
0xff: {  	v8 =	vld [tilespmem:s21+$0x1250];
	_ =	sdelay $0x4  }
0x100: {  	v7 =	vadd.f32 v8, v7;
	_ =	sdelay $0x1  }
0x101: {  	v7 =	vmul.f32 $5.000000000e-01, v7;
	_ =	sdelay $0x1  }
0x102: {  	[tilespmem:s22+$0x29D0] =	vst v7  }
0x103: {  	v7 =	vld [tilespmem:s21+$0x11E0]  }
0x104: {  	v8 =	vld [tilespmem:s21+$0x1260];
	_ =	sdelay $0x4  }
0x105: {  	v7 =	vadd.f32 v8, v7;
	_ =	sdelay $0x1  }
0x106: {  	v7 =	vmul.f32 $5.000000000e-01, v7;
	_ =	sdelay $0x1  }
0x107: {  	[tilespmem:s22+$0x29E0] =	vst v7  }
0x108: {  	v7 =	vld [tilespmem:s21+$0x11F0]  }
0x109: {  	v8 =	vld [tilespmem:s21+$0x1270];
	_ =	sdelay $0x4  }
0x10a: {  	v7 =	vadd.f32 v8, v7;
	_ =	sdelay $0x1  }
0x10b: {  	v7 =	vmul.f32 $5.000000000e-01, v7;
	_ =	sdelay $0x1  }
0x10c: {  	[tilespmem:s22+$0x29F0] =	vst v7  }
0x10d: {  	v7 =	vld [tilespmem:s21+$0x1580]  }
0x10e: {  	v8 =	vld [tilespmem:s21+$0x1600];
	_ =	sdelay $0x4  }
0x10f: {  	v7 =	vadd.f32 v8, v7;
	_ =	sdelay $0x1  }
0x110: {  	v7 =	vmul.f32 $5.000000000e-01, v7;
	_ =	sdelay $0x1  }
0x111: {  	[tilespmem:s22+$0x2D80] =	vst v7  }
0x112: {  	v7 =	vld [tilespmem:s21+$0x1590]  }
0x113: {  	v8 =	vld [tilespmem:s21+$0x1610];
	_ =	sdelay $0x4  }
0x114: {  	v7 =	vadd.f32 v8, v7;
	_ =	sdelay $0x1  }
0x115: {  	v7 =	vmul.f32 $5.000000000e-01, v7;
	_ =	sdelay $0x1  }
0x116: {  	[tilespmem:s22+$0x2D90] =	vst v7  }
0x117: {  	v7 =	vld [tilespmem:s21+$0x15A0]  }
0x118: {  	v8 =	vld [tilespmem:s21+$0x1620];
	_ =	sdelay $0x4  }
0x119: {  	v7 =	vadd.f32 v8, v7;
	_ =	sdelay $0x1  }
0x11a: {  	v7 =	vmul.f32 $5.000000000e-01, v7;
	_ =	sdelay $0x1  }
0x11b: {  	[tilespmem:s22+$0x2DA0] =	vst v7  }
0x11c: {  	v7 =	vld [tilespmem:s21+$0x15B0]  }
0x11d: {  	v8 =	vld [tilespmem:s21+$0x1630];
	_ =	sdelay $0x4  }
0x11e: {  	v7 =	vadd.f32 v8, v7;
	_ =	sdelay $0x1  }
0x11f: {  	v7 =	vmul.f32 $5.000000000e-01, v7;
	_ =	sdelay $0x1  }
0x120: {  	[tilespmem:s22+$0x2DB0] =	vst v7  }
0x121: {  	v7 =	vld [tilespmem:s21+$0x15C0]  }
0x122: {  	v8 =	vld [tilespmem:s21+$0x1640];
	_ =	sdelay $0x4  }
0x123: {  	v7 =	vadd.f32 v8, v7;
	_ =	sdelay $0x1  }
0x124: {  	v7 =	vmul.f32 $5.000000000e-01, v7;
	_ =	sdelay $0x1  }
0x125: {  	[tilespmem:s22+$0x2DC0] =	vst v7  }
0x126: {  	v7 =	vld [tilespmem:s21+$0x15D0]  }
0x127: {  	v8 =	vld [tilespmem:s21+$0x1650];
	_ =	sdelay $0x4  }
0x128: {  	v7 =	vadd.f32 v8, v7;
	_ =	sdelay $0x1  }
0x129: {  	v7 =	vmul.f32 $5.000000000e-01, v7;
	_ =	sdelay $0x1  }
0x12a: {  	[tilespmem:s22+$0x2DD0] =	vst v7  }
0x12b: {  	v7 =	vld [tilespmem:s21+$0x15E0]  }
0x12c: {  	s23 =	simm.s32 $0x100;
	v8 =	vld [tilespmem:s21+$0x1660]  }
.LBB2_4:
0x12d: {  	_ =	sdelay $0x1  }
0x12e: {  	p0 =	sne.s32 s23, $0x700  }
0x12f: {  	s20 =	sadd.s32 $0x200, s20;
	s24 =	smov.u32 s23;
	s23 =	sadd.s32 $0x100, s23  }
0x130: {  	v7 =	vadd.f32 v8, v7;
	_ =	sdelay $0x1  }
0x131: {  	v7 =	vmul.f32 $5.000000000e-01, v7;
	_ =	sdelay $0x1  }
0x132: {  	[tilespmem:s22+$0x2DE0] =	vst v7  }
0x133: {  	v7 =	vld [tilespmem:s21+$0x15F0]  }
0x134: {  	v8 =	vld [tilespmem:s21+$0x1670];
	_ =	sdelay $0x4  }
0x135: {  	v7 =	vadd.f32 v8, v7;
	_ =	sdelay $0x1  }
0x136: {  	v7 =	vmul.f32 $5.000000000e-01, v7  }
0x137: {  	s24 =	sand.u32 $0x300, s24;
	s21 =	sand.u32 $0x800, s20  }
0x138: {  	s21 =	sor.u32 s24, s21;
	[tilespmem:s22+$0x2DF0] =	vst v7  }
0x139: {  	v7 =	vld [tilespmem:s21+$0x1180]  }
0x13a: {  	v8 =	vld [tilespmem:s21+$0x1200];
	_ =	sdelay $0x4  }
0x13b: {  	v7 =	vadd.f32 v8, v7;
	_ =	sdelay $0x1  }
0x13c: {  	s22 =	sshra.s32 s20, $0x2;
	v7 =	vmul.f32 $5.000000000e-01, v7;
	_ =	sdelay $0x1  }
0x13d: {  	[tilespmem:s22+$0x2980] =	vst v7  }
0x13e: {  	v7 =	vld [tilespmem:s21+$0x1190]  }
0x13f: {  	v8 =	vld [tilespmem:s21+$0x1210];
	_ =	sdelay $0x4  }
0x140: {  	v7 =	vadd.f32 v8, v7;
	_ =	sdelay $0x1  }
0x141: {  	v7 =	vmul.f32 $5.000000000e-01, v7;
	_ =	sdelay $0x1  }
0x142: {  	[tilespmem:s22+$0x2990] =	vst v7  }
0x143: {  	v7 =	vld [tilespmem:s21+$0x11A0]  }
0x144: {  	v8 =	vld [tilespmem:s21+$0x1220];
	_ =	sdelay $0x4  }
0x145: {  	v7 =	vadd.f32 v8, v7;
	_ =	sdelay $0x1  }
0x146: {  	v7 =	vmul.f32 $5.000000000e-01, v7;
	_ =	sdelay $0x1  }
0x147: {  	[tilespmem:s22+$0x29A0] =	vst v7  }
0x148: {  	v7 =	vld [tilespmem:s21+$0x11B0]  }
0x149: {  	v8 =	vld [tilespmem:s21+$0x1230];
	_ =	sdelay $0x4  }
0x14a: {  	v7 =	vadd.f32 v8, v7;
	_ =	sdelay $0x1  }
0x14b: {  	v7 =	vmul.f32 $5.000000000e-01, v7;
	_ =	sdelay $0x1  }
0x14c: {  	[tilespmem:s22+$0x29B0] =	vst v7  }
0x14d: {  	v7 =	vld [tilespmem:s21+$0x11C0]  }
0x14e: {  	v8 =	vld [tilespmem:s21+$0x1240];
	_ =	sdelay $0x4  }
0x14f: {  	v7 =	vadd.f32 v8, v7;
	_ =	sdelay $0x1  }
0x150: {  	v7 =	vmul.f32 $5.000000000e-01, v7;
	_ =	sdelay $0x1  }
0x151: {  	[tilespmem:s22+$0x29C0] =	vst v7  }
0x152: {  	v7 =	vld [tilespmem:s21+$0x11D0]  }
0x153: {  	v8 =	vld [tilespmem:s21+$0x1250];
	_ =	sdelay $0x4  }
0x154: {  	v7 =	vadd.f32 v8, v7;
	_ =	sdelay $0x1  }
0x155: {  	v7 =	vmul.f32 $5.000000000e-01, v7;
	_ =	sdelay $0x1  }
0x156: {  	[tilespmem:s22+$0x29D0] =	vst v7  }
0x157: {  	v7 =	vld [tilespmem:s21+$0x11E0]  }
0x158: {  	v8 =	vld [tilespmem:s21+$0x1260];
	_ =	sdelay $0x4  }
0x159: {  	v7 =	vadd.f32 v8, v7;
	_ =	sdelay $0x1  }
0x15a: {  	v7 =	vmul.f32 $5.000000000e-01, v7;
	_ =	sdelay $0x1  }
0x15b: {  	[tilespmem:s22+$0x29E0] =	vst v7  }
0x15c: {  	v7 =	vld [tilespmem:s21+$0x11F0]  }
0x15d: {  	v8 =	vld [tilespmem:s21+$0x1270];
	_ =	sdelay $0x4  }
0x15e: {  	v7 =	vadd.f32 v8, v7;
	_ =	sdelay $0x1  }
0x15f: {  	v7 =	vmul.f32 $5.000000000e-01, v7;
	_ =	sdelay $0x1  }
0x160: {  	[tilespmem:s22+$0x29F0] =	vst v7  }
0x161: {  	v7 =	vld [tilespmem:s21+$0x1580]  }
0x162: {  	v8 =	vld [tilespmem:s21+$0x1600];
	_ =	sdelay $0x4  }
0x163: {  	v7 =	vadd.f32 v8, v7;
	_ =	sdelay $0x1  }
0x164: {  	v7 =	vmul.f32 $5.000000000e-01, v7;
	_ =	sdelay $0x1  }
0x165: {  	[tilespmem:s22+$0x2D80] =	vst v7  }
0x166: {  	v7 =	vld [tilespmem:s21+$0x1590]  }
0x167: {  	v8 =	vld [tilespmem:s21+$0x1610];
	_ =	sdelay $0x4  }
0x168: {  	v7 =	vadd.f32 v8, v7;
	_ =	sdelay $0x1  }
0x169: {  	v7 =	vmul.f32 $5.000000000e-01, v7;
	_ =	sdelay $0x1  }
0x16a: {  	[tilespmem:s22+$0x2D90] =	vst v7  }
0x16b: {  	v7 =	vld [tilespmem:s21+$0x15A0]  }
0x16c: {  	v8 =	vld [tilespmem:s21+$0x1620];
	_ =	sdelay $0x4  }
0x16d: {  	v7 =	vadd.f32 v8, v7;
	_ =	sdelay $0x1  }
0x16e: {  	v7 =	vmul.f32 $5.000000000e-01, v7;
	_ =	sdelay $0x1  }
0x16f: {  	[tilespmem:s22+$0x2DA0] =	vst v7  }
0x170: {  	v7 =	vld [tilespmem:s21+$0x15B0]  }
0x171: {  	v8 =	vld [tilespmem:s21+$0x1630];
	_ =	sdelay $0x4  }
0x172: {  	v7 =	vadd.f32 v8, v7;
	_ =	sdelay $0x1  }
0x173: {  	v7 =	vmul.f32 $5.000000000e-01, v7;
	_ =	sdelay $0x1  }
0x174: {  	[tilespmem:s22+$0x2DB0] =	vst v7  }
0x175: {  	v7 =	vld [tilespmem:s21+$0x15C0]  }
0x176: {  	v8 =	vld [tilespmem:s21+$0x1640];
	_ =	sdelay $0x4  }
0x177: {  	v7 =	vadd.f32 v8, v7;
	_ =	sdelay $0x1  }
0x178: {  	v7 =	vmul.f32 $5.000000000e-01, v7;
	_ =	sdelay $0x1  }
0x179: {  	[tilespmem:s22+$0x2DC0] =	vst v7  }
0x17a: {  	v7 =	vld [tilespmem:s21+$0x15D0]  }
0x17b: {  	v8 =	vld [tilespmem:s21+$0x1650];
	_ =	sdelay $0x4  }
0x17c: {  	v7 =	vadd.f32 v8, v7;
	_ =	sdelay $0x1  }
.Ltmp1:
0x17d: {  	v7 =	vmul.f32 $5.000000000e-01, v7;
	(pc) =	sbr.rel @p0 .LBB2_4-.Ltmp1, $4  }
0x17e: {  	_ = 	snop  }
0x17f: {  	[tilespmem:s22+$0x2DD0] =	vst v7  }
0x180: {  	v7 =	vld [tilespmem:s21+$0x15E0]  }
0x181: {  	v8 =	vld [tilespmem:s21+$0x1660]  }
0x182: {  	_ =	sdelay $0x3  }
0x183: {  	v7 =	vadd.f32 v8, v7;
	_ =	sdelay $0x1  }
0x184: {  	v7 =	vmul.f32 $5.000000000e-01, v7;
	_ =	sdelay $0x1  }
0x185: {  	[tilespmem:s22+$0x2DE0] =	vst v7  }
0x186: {  	v7 =	vld [tilespmem:s21+$0x15F0]  }
0x187: {  	v8 =	vld [tilespmem:s21+$0x1670];
	_ =	sdelay $0x4  }
0x188: {  	v7 =	vadd.f32 v8, v7;
	_ =	sdelay $0x1  }
0x189: {  	v7 =	vmul.f32 $5.000000000e-01, v7;
	_ =	sdelay $0x1  }
0x18a: {  	[tilespmem:s22+$0x2DF0] =	vst v7  }
0x18b: {  	[hbm4b:s3+s4] =	stream.indirect_vreg.scatter [tilespmem:s17], [sflag:$0x1], $0x80, v5, vm0, $0xb8;
	[tilespmem:$0x4180] =	vst v63  }
0x18c: {  	s19 =	sadd.s32 $0x1, s19  }
0x18d: {  	[hbm4b:s3+s4] =	stream.indirect_vreg.scatter [tilespmem:s18], [sflag:$0x1], $0x80, v6, vm0, $0xb8;
	[tilespmem:$0x4180] =	vst v63  }
0x18e: {  	p0 =	sne.s32 s19, s7;
	_ =	swait.ge [sflag:s15], $0x1000  }
.Ltmp2:
0x18f: {  	[sflag:s15] =	ssyncset.done $0x0;
	(pc) =	sbr.rel @p0 .LBB2_1-.Ltmp2, $4  }
0x190: {  	[sflag:s15] =	ssyncadd.s32 $0xFFFFF000  }
0x191: {  	_ =	swait.ge [sflag:s16], $0x1000  }
0x192: {  	[sflag:s16] =	ssyncset.done $0x0  }
0x193: {  	[sflag:s16] =	ssyncadd.s32 $0xFFFFF000  }
0x194: {  	_ =	sfence.sel $0x180000  }
0x195: {  	[bflag:$0x0] =	sbarrier.arrive $0xFFFF  }
0x196: {  	p0 =	sne.s32 s0, $0x0;
	_ =	strace $0x90000047  }
0x197: {  	s0 =	sadd.s32 @!p0 $0x100000, s2;
	[bflag:$0x2] =	sbarrier.arrive $0xFFFF  }
0x198: {  	[sflag:s0] =	ssyncadd.tile.s32 @!p0 $0x1;
	_ =	shalt  }
.Lfunc_end2:
_tile_overlayer_lowered:
.L_overlay_start_2:
0x199: {  	(tag) =	ssettag $0x2  }
0x19a: {  	s0 =	rddreg [dreg:$0x0];
	s2 =	stileid.u32  }
0x19b: {  	s1 =	rddreg [dreg:$0x1];
	p0 =	sne.s32 s2, $0x0  }
0x19c: {  	s3 =	rddreg [dreg:$0x2];
	[bflag:$0x3] =	sbarrier.arrive $0xFFFF;
	s2 =	simm.s32 @!p0 $0x1C04  }
0x19d: {  	[timem:s3], [sflag:s2] =	dma.local @!p0 [hbm:s0], s1  }
0x19e: {  	s0 =	simm.s32 @!p0 $0x4  }
0x19f: {  	_ =	swait.ge @!p0 [sflag:s0], s1  }
0x1a0: {  	s1 =	ssub.s32 @!p0 $0x0, s1;
	[sflag:s0] =	ssyncset.done @!p0 $0x0  }
0x1a1: {  	[sflag:s0] =	ssyncadd.s32 @!p0 s1  }
0x1a2: {  	[bflag:$0x3] =	sbarrier.arrive $0xFFFF  }
0x1a3: {  	_ =	shalt  }

</sc_bundles>
